<compile_context>
chip_gen: v7x
topology: tpu7x:2x2x1
jax: 0.10.2.dev20260603
libtpu: 0.0.44.dev20260713+nightly
codegen_flags: <defaults>
</compile_context>

<pallas_src>
import functools

import jax
import jax.numpy as jnp
from jax import lax
from jax.experimental import pallas as pl
from jax.experimental.pallas import tpu as pltpu
from jax.experimental.pallas import tpu_sc as plsc

B = 4096
L = 200
N = B * L
WORD_DIM = 64
POS_DIM = 16
OUT_DIM = 96
ROW = 128

NC = 2
NS = 16
NW = NC * NS
PER_W = N // NW
CHUNK = 256
NIT = PER_W // CHUNK
CPL = B // CHUNK

VOCAB = 1000000
TBLK = 8192
NBLK = pl.cdiv(VOCAB, TBLK)
PACKED_ROWS = NBLK * (TBLK // 2)


def _tx_body(wtT_ref, out_ref):
    blk = wtT_ref[...]
    ta = lax.transpose(blk[:, : TBLK // 2], (1, 0))
    tb = lax.transpose(blk[:, TBLK // 2 :], (1, 0))
    out_ref[...] = jnp.concatenate([ta, tb], axis=1)


def _tx(wtT):
    return pl.pallas_call(
        _tx_body,
        grid=(NBLK,),
        in_specs=[pl.BlockSpec((WORD_DIM, TBLK), lambda i: (0, i))],
        out_specs=pl.BlockSpec((TBLK // 2, 128), lambda i: (i, 0)),
        out_shape=jax.ShapeDtypeStruct((PACKED_ROWS, 128), jnp.float32),
    )(wtT)


def _ty_body(in_ref, out_ref):
    t = lax.transpose(in_ref[...], (1, 0))
    out_ref[...] = t[:OUT_DIM, :].reshape(1, OUT_DIM, B)


def _ty(packed):
    return pl.pallas_call(
        _ty_body,
        grid=(L,),
        in_specs=[pl.BlockSpec((B, ROW), lambda i: (i, 0))],
        out_specs=pl.BlockSpec((1, OUT_DIM, B), lambda i: (i, 0, 0)),
        out_shape=jax.ShapeDtypeStruct((L, OUT_DIM, B), jnp.float32),
    )(packed)


def _emb_body(word_hbm, pos1_hbm, pos2_hbm, wt_hbm, p1t_hbm, p2t_hbm,
              out_hbm, widx, p1idx, p2idx, p1t_v, p2t_v, ob,
              gsem, isem, wsem):
    c = lax.axis_index("c")
    s = lax.axis_index("s")
    wid = s * NC + c
    chunk0 = wid * NIT

    pltpu.sync_copy(p1t_hbm, p1t_v)
    pltpu.sync_copy(p2t_hbm, p2t_v)

    def idx_copy(cglob, slot, sem, copier):
        l = cglob // CPL
        b0 = (cglob % CPL) * CHUNK
        cps = []
        for src, dst in ((word_hbm, widx), (pos1_hbm, p1idx),
                         (pos2_hbm, p2idx)):
            cps.append(copier(src.at[l, pl.ds(b0, CHUNK)],
                              dst.at[pl.ds(slot * CHUNK, CHUNK)], sem))
        return cps

    for cp in idx_copy(chunk0, 0, isem, pltpu.async_copy):
        cp.wait()

    def body(it, carry):
        cglob = chunk0 + it
        slot = lax.rem(it, 2)
        nslot = 1 - slot
        soff = slot * CHUNK
        l = cglob // CPL
        b0 = (cglob % CPL) * CHUNK
        obase = l * B + b0

        @pl.when(it + 1 < NIT)
        def _():
            idx_copy(cglob + 1, nslot, isem, pltpu.async_copy)

        @pl.when(it >= 2)
        def _():
            pltpu.make_async_copy(
                ob.at[pl.ds(soff, CHUNK)],
                out_hbm.at[pl.ds(0, CHUNK)], wsem).wait()

        def group(g, carry2):
            r0 = soff + g * 16
            wv = widx[pl.ds(r0, 16)]
            p1v = p1idx[pl.ds(r0, 16)]
            p2v = p2idx[pl.ds(r0, 16)]
            for u in range(16):
                r = r0 + u
                v = wv[u]
                p = ((v >> 13) << 12) + (v & 4095)
                col = ((v >> 12) & 1) * WORD_DIM
                pltpu.async_copy(
                    wt_hbm.at[p, pl.ds(col, WORD_DIM)],
                    ob.at[r, pl.ds(0, WORD_DIM)], gsem)
                ob[r, pl.ds(WORD_DIM, POS_DIM)] = p1t_v[p1v[u], :]
                ob[r, pl.ds(WORD_DIM + POS_DIM, POS_DIM)] = p2t_v[p2v[u], :]
            return carry2

        lax.fori_loop(0, CHUNK // 16, group, 0)

        pltpu.make_async_copy(
            wt_hbm.at[pl.ds(0, CHUNK), pl.ds(0, WORD_DIM)],
            ob.at[pl.ds(soff, CHUNK), pl.ds(0, WORD_DIM)], gsem).wait()

        @pl.when(it + 1 < NIT)
        def _():
            for ref in (widx, p1idx, p2idx):
                pltpu.make_async_copy(
                    word_hbm.at[0, pl.ds(0, CHUNK)],
                    ref.at[pl.ds(0, CHUNK)], isem).wait()

        pltpu.async_copy(ob.at[pl.ds(soff, CHUNK)],
                         out_hbm.at[pl.ds(obase, CHUNK)], wsem)
        return carry

    lax.fori_loop(0, NIT, body, 0)

    for _ in range(2):
        pltpu.make_async_copy(
            ob.at[pl.ds(0, CHUNK)], out_hbm.at[pl.ds(0, CHUNK)], wsem).wait()


@jax.jit
def _emb(word_t, pos1_t, pos2_t, word_table, pos1_table, pos2_table):
    mesh = plsc.VectorSubcoreMesh(core_axis_name="c", subcore_axis_name="s")
    f = pl.kernel(
        _emb_body,
        mesh=mesh,
        compiler_params=pltpu.CompilerParams(use_tc_tiling_on_sc=False),
        out_type=jax.ShapeDtypeStruct((N, ROW), jnp.float32),
        scratch_types=[
            pltpu.VMEM((2 * CHUNK,), jnp.int32),
            pltpu.VMEM((2 * CHUNK,), jnp.int32),
            pltpu.VMEM((2 * CHUNK,), jnp.int32),
            pltpu.VMEM((512, POS_DIM), jnp.float32),
            pltpu.VMEM((512, POS_DIM), jnp.float32),
            pltpu.VMEM((2 * CHUNK, ROW), jnp.float32),
            pltpu.SemaphoreType.DMA,
            pltpu.SemaphoreType.DMA,
            pltpu.SemaphoreType.DMA,
        ],
    )
    return f(word_t, pos1_t, pos2_t, word_table, pos1_table, pos2_table)


def kernel(word, pos1, pos2, word_table, pos1_table, pos2_table):
    word_t = word.astype(jnp.int32).T
    pos1_t = pos1.astype(jnp.int32).T
    pos2_t = pos2.astype(jnp.int32).T
    wt_rm = _tx(word_table.T)
    packed = _emb(word_t, pos1_t, pos2_t, wt_rm, pos1_table, pos2_table)
    return _ty(packed).transpose(2, 0, 1)

# --- scband reference (transcript-rebuilt; emitter-appended) ---
"""Pipeline reference for scband-embedding-39616778338950 (READ-ONLY COPY).

The authoritative reference and input builder live on the scoring server;
editing this copy changes nothing except your own understanding.
"""

import jax, jax.numpy as jnp
import numpy as np

VOCAB = 1000000
WORD_DIM = 64
POS_NUM = 512
POS_DIM = 16
B = 4096
L = 200


def setup_inputs(seed: int = 0) -> dict:
    key = jax.random.key(seed)
    k1, k2, k3, k4, k5, k6 = jax.random.split(key, 6)
    word = jax.random.randint(k1, (B, L), 0, VOCAB, dtype=jnp.int64 if jax.config.jax_enable_x64 else jnp.int32)
    pos1 = jax.random.randint(k2, (B, L), 0, POS_NUM, dtype=jnp.int32)
    pos2 = jax.random.randint(k3, (B, L), 0, POS_NUM, dtype=jnp.int32)
    word_table = jax.random.normal(k4, (VOCAB, WORD_DIM), dtype=jnp.float32)
    # xavier-uniform-ish init for pos tables, padding_idx=0 row zeroed
    limit = float(np.sqrt(6.0 / (POS_NUM + POS_DIM)))
    pos1_table = jax.random.uniform(k5, (POS_NUM, POS_DIM), minval=-limit, maxval=limit, dtype=jnp.float32)
    pos1_table = pos1_table.at[0].set(0.0)
    pos2_table = jax.random.uniform(k6, (POS_NUM, POS_DIM), minval=-limit, maxval=limit, dtype=jnp.float32)
    pos2_table = pos2_table.at[0].set(0.0)
    return {
        "word": word,
        "pos1": pos1,
        "pos2": pos2,
        "word_table": word_table,
        "pos1_table": pos1_table,
        "pos2_table": pos2_table,
    }


def reference(word, pos1, pos2, word_table, pos1_table, pos2_table):
    w = jnp.take(word_table, word, axis=0)
    p1 = jnp.take(pos1_table, pos1, axis=0)
    p2 = jnp.take(pos2_table, pos2, axis=0)
    embedding = jnp.concatenate((w, p1, p2), axis=2)
    return embedding

if __name__ == "__main__":
    import jax
    _d = setup_inputs()
    print(jax.jit(kernel)(*tuple(_d.values())))

</pallas_src>

<mosaic_0001>
#map = affine_map<(d0, d1) -> (0, 0)>
module attributes {stable_mosaic.version = 14 : i64} {
  func.func @_emb_body(%arg0: i32, %arg1: i32, %arg2: memref<200x4096xi32, #tpu.memory_space<hbm>>, %arg3: memref<200x4096xi32, #tpu.memory_space<hbm>>, %arg4: memref<200x4096xi32, #tpu.memory_space<hbm>>, %arg5: memref<503808x128xf32, #tpu.memory_space<hbm>>, %arg6: memref<512x16xf32, #tpu.memory_space<hbm>>, %arg7: memref<512x16xf32, #tpu.memory_space<hbm>>, %arg8: memref<819200x128xf32, #tpu.memory_space<hbm>>, %arg9: memref<512xi32, #tpu.memory_space<vmem>>, %arg10: memref<512xi32, #tpu.memory_space<vmem>>, %arg11: memref<512xi32, #tpu.memory_space<vmem>>, %arg12: memref<512x16xf32, #tpu.memory_space<vmem>>, %arg13: memref<512x16xf32, #tpu.memory_space<vmem>>, %arg14: memref<512x128xf32, #tpu.memory_space<vmem>>, %arg15: memref<!tpu.dma_semaphore, #tpu.memory_space<semaphore_mem>>, %arg16: memref<!tpu.dma_semaphore, #tpu.memory_space<semaphore_mem>>, %arg17: memref<!tpu.dma_semaphore, #tpu.memory_space<semaphore_mem>>) attributes {dimension_semantics = [#tpu.dimension_semantics<core_parallel>, #tpu.dimension_semantics<subcore_parallel>], iteration_bounds = array<i64: 2, 16>, scalar_prefetch = 0 : i64, scratch_operands = 9 : i64, tpu.core_type = #tpu.core_type<sc_vector_subcore>, window_params = [{transform_indices = #map}, {transform_indices = #map}, {transform_indices = #map}, {transform_indices = #map}, {transform_indices = #map}, {transform_indices = #map}, {transform_indices = #map}]} {
    %mul3A = arith.constant 2 : i32
    %mul3A_0 = arith.muli %arg1, %mul3A : i32
    %add3A = arith.addi %mul3A_0, %arg0 : i32
    %mul3A_1 = arith.constant 100 : i32
    %mul3A_2 = arith.muli %add3A, %mul3A_1 : i32
    "tpu.region"() ({
      %run_scoped3A = tpu.sem_alloc : memref<!tpu.dma_semaphore, #tpu.memory_space<semaphore_mem>>
      tpu.enqueue_dma source(%arg6 : memref<512x16xf32, #tpu.memory_space<hbm>>) target(%arg12 : memref<512x16xf32, #tpu.memory_space<vmem>>) target_semaphore(%run_scoped3A : memref<!tpu.dma_semaphore, #tpu.memory_space<semaphore_mem>>)
      tpu.wait_dma2 semaphore(%run_scoped3A : memref<!tpu.dma_semaphore, #tpu.memory_space<semaphore_mem>>) src(%arg6 : memref<512x16xf32, #tpu.memory_space<hbm>>) dst(%arg12 : memref<512x16xf32, #tpu.memory_space<vmem>>)
      tpu.yield
    }) : () -> ()
    "tpu.region"() ({
      %run_scoped3A = tpu.sem_alloc : memref<!tpu.dma_semaphore, #tpu.memory_space<semaphore_mem>>
      tpu.enqueue_dma source(%arg7 : memref<512x16xf32, #tpu.memory_space<hbm>>) target(%arg13 : memref<512x16xf32, #tpu.memory_space<vmem>>) target_semaphore(%run_scoped3A : memref<!tpu.dma_semaphore, #tpu.memory_space<semaphore_mem>>)
      tpu.wait_dma2 semaphore(%run_scoped3A : memref<!tpu.dma_semaphore, #tpu.memory_space<semaphore_mem>>) src(%arg7 : memref<512x16xf32, #tpu.memory_space<hbm>>) dst(%arg13 : memref<512x16xf32, #tpu.memory_space<vmem>>)
      tpu.yield
    }) : () -> ()
    %jit3A = arith.constant 16 : i32
    %div3A = arith.divsi %mul3A_2, %jit3A : i32
    %sign3A = arith.constant 0 : i32
    %sign3A_3 = arith.cmpi sgt, %mul3A_2, %sign3A : i32
    %sign3A_4 = arith.extui %sign3A_3 : i1 to i32
    %sign3A_5 = arith.constant 0 : i32
    %sign3A_6 = arith.cmpi slt, %mul3A_2, %sign3A_5 : i32
    %sign3A_7 = arith.extui %sign3A_6 : i1 to i32
    %sign3A_8 = arith.subi %sign3A_4, %sign3A_7 : i32
    %sign3A_9 = arith.constant 0 : i32
    %sign3A_10 = arith.cmpi sgt, %jit3A, %sign3A_9 : i32
    %sign3A_11 = arith.extui %sign3A_10 : i1 to i32
    %sign3A_12 = arith.constant 0 : i32
    %sign3A_13 = arith.cmpi slt, %jit3A, %sign3A_12 : i32
    %sign3A_14 = arith.extui %sign3A_13 : i1 to i32
    %sign3A_15 = arith.subi %sign3A_11, %sign3A_14 : i32
    %ne3A = arith.cmpi ne, %sign3A_8, %sign3A_15 : i32
    %rem3A = arith.remsi %mul3A_2, %jit3A : i32
    %ne3A_16 = arith.constant 0 : i32
    %ne3A_17 = arith.cmpi ne, %rem3A, %ne3A_16 : i32
    %and3A = arith.andi %ne3A, %ne3A_17 : i1
    %sub3A = arith.constant 1 : i32
    %sub3A_18 = arith.subi %div3A, %sub3A : i32
    %select_n3A = arith.select %and3A, %sub3A_18, %div3A : i32
    %jit3A_19 = arith.constant 16 : i32
    %eq3A = arith.constant 0 : i32
    %eq3A_20 = arith.cmpi eq, %jit3A_19, %eq3A : i32
    %jit3A_21 = arith.constant 1 : i32
    %select_n3A_22 = arith.select %eq3A_20, %jit3A_21, %jit3A_19 : i32
    %rem3A_23 = arith.remsi %mul3A_2, %select_n3A_22 : i32
    %ne3A_24 = arith.constant 0 : i32
    %ne3A_25 = arith.cmpi ne, %rem3A_23, %ne3A_24 : i32
    %lt3A = arith.constant 0 : i32
    %lt3A_26 = arith.cmpi slt, %rem3A_23, %lt3A : i32
    %lt3A_27 = arith.constant 0 : i32
    %lt3A_28 = arith.cmpi slt, %select_n3A_22, %lt3A_27 : i32
    %ne3A_29 = arith.xori %lt3A_26, %lt3A_28 : i1
    %and3A_30 = arith.andi %ne3A_29, %ne3A_25 : i1
    %add3A_31 = arith.addi %rem3A_23, %select_n3A_22 : i32
    %select_n3A_32 = arith.select %and3A_30, %add3A_31, %rem3A_23 : i32
    %mul3A_33 = arith.constant 256 : i32
    %mul3A_34 = arith.muli %select_n3A_32, %mul3A_33 : i32
    %dma_start3A = arith.constant 0 : i32
    %dma_start3A_35 = tpu.memref_slice %arg9[%dma_start3A] : memref<512xi32, #tpu.memory_space<vmem>> -> memref<256xi32, #tpu.memory_space<vmem>>
    %dma_start3A_36 = tpu.memref_slice %arg2[%select_n3A, %mul3A_34] : memref<200x4096xi32, #tpu.memory_space<hbm>> -> memref<1x256xi32, #tpu.memory_space<hbm>>
    %dma_start3A_37 = tpu.memref_squeeze %dma_start3A_36 : memref<1x256xi32, #tpu.memory_space<hbm>> -> memref<256xi32, #tpu.memory_space<hbm>>
    %dma_start3A_38 = arith.constant 0 : i32
    %dma_start3A_39 = tpu.memref_slice %arg9[%dma_start3A_38] : memref<512xi32, #tpu.memory_space<vmem>> -> memref<256xi32, #tpu.memory_space<vmem>>
    %dma_start3A_40 = tpu.memref_slice %arg2[%select_n3A, %mul3A_34] : memref<200x4096xi32, #tpu.memory_space<hbm>> -> memref<1x256xi32, #tpu.memory_space<hbm>>
    %dma_start3A_41 = tpu.memref_squeeze %dma_start3A_40 : memref<1x256xi32, #tpu.memory_space<hbm>> -> memref<256xi32, #tpu.memory_space<hbm>>
    tpu.enqueue_dma source(%dma_start3A_41 : memref<256xi32, #tpu.memory_space<hbm>>) target(%dma_start3A_39 : memref<256xi32, #tpu.memory_space<vmem>>) target_semaphore(%arg16 : memref<!tpu.dma_semaphore, #tpu.memory_space<semaphore_mem>>)
    %dma_start3A_42 = arith.constant 0 : i32
    %dma_start3A_43 = tpu.memref_slice %arg10[%dma_start3A_42] : memref<512xi32, #tpu.memory_space<vmem>> -> memref<256xi32, #tpu.memory_space<vmem>>
    %dma_start3A_44 = tpu.memref_slice %arg3[%select_n3A, %mul3A_34] : memref<200x4096xi32, #tpu.memory_space<hbm>> -> memref<1x256xi32, #tpu.memory_space<hbm>>
    %dma_start3A_45 = tpu.memref_squeeze %dma_start3A_44 : memref<1x256xi32, #tpu.memory_space<hbm>> -> memref<256xi32, #tpu.memory_space<hbm>>
    %dma_start3A_46 = arith.constant 0 : i32
    %dma_start3A_47 = tpu.memref_slice %arg10[%dma_start3A_46] : memref<512xi32, #tpu.memory_space<vmem>> -> memref<256xi32, #tpu.memory_space<vmem>>
    %dma_start3A_48 = tpu.memref_slice %arg3[%select_n3A, %mul3A_34] : memref<200x4096xi32, #tpu.memory_space<hbm>> -> memref<1x256xi32, #tpu.memory_space<hbm>>
    %dma_start3A_49 = tpu.memref_squeeze %dma_start3A_48 : memref<1x256xi32, #tpu.memory_space<hbm>> -> memref<256xi32, #tpu.memory_space<hbm>>
    tpu.enqueue_dma source(%dma_start3A_49 : memref<256xi32, #tpu.memory_space<hbm>>) target(%dma_start3A_47 : memref<256xi32, #tpu.memory_space<vmem>>) target_semaphore(%arg16 : memref<!tpu.dma_semaphore, #tpu.memory_space<semaphore_mem>>)
    %dma_start3A_50 = arith.constant 0 : i32
    %dma_start3A_51 = tpu.memref_slice %arg11[%dma_start3A_50] : memref<512xi32, #tpu.memory_space<vmem>> -> memref<256xi32, #tpu.memory_space<vmem>>
    %dma_start3A_52 = tpu.memref_slice %arg4[%select_n3A, %mul3A_34] : memref<200x4096xi32, #tpu.memory_space<hbm>> -> memref<1x256xi32, #tpu.memory_space<hbm>>
    %dma_start3A_53 = tpu.memref_squeeze %dma_start3A_52 : memref<1x256xi32, #tpu.memory_space<hbm>> -> memref<256xi32, #tpu.memory_space<hbm>>
    %dma_start3A_54 = arith.constant 0 : i32
    %dma_start3A_55 = tpu.memref_slice %arg11[%dma_start3A_54] : memref<512xi32, #tpu.memory_space<vmem>> -> memref<256xi32, #tpu.memory_space<vmem>>
    %dma_start3A_56 = tpu.memref_slice %arg4[%select_n3A, %mul3A_34] : memref<200x4096xi32, #tpu.memory_space<hbm>> -> memref<1x256xi32, #tpu.memory_space<hbm>>
    %dma_start3A_57 = tpu.memref_squeeze %dma_start3A_56 : memref<1x256xi32, #tpu.memory_space<hbm>> -> memref<256xi32, #tpu.memory_space<hbm>>
    tpu.enqueue_dma source(%dma_start3A_57 : memref<256xi32, #tpu.memory_space<hbm>>) target(%dma_start3A_55 : memref<256xi32, #tpu.memory_space<vmem>>) target_semaphore(%arg16 : memref<!tpu.dma_semaphore, #tpu.memory_space<semaphore_mem>>)
    %dma_wait3A = arith.constant 0 : i32
    %dma_wait3A_58 = tpu.memref_slice %arg9[%dma_wait3A] : memref<512xi32, #tpu.memory_space<vmem>> -> memref<256xi32, #tpu.memory_space<vmem>>
    %dma_wait3A_59 = tpu.memref_slice %arg2[%select_n3A, %mul3A_34] : memref<200x4096xi32, #tpu.memory_space<hbm>> -> memref<1x256xi32, #tpu.memory_space<hbm>>
    %dma_wait3A_60 = tpu.memref_squeeze %dma_wait3A_59 : memref<1x256xi32, #tpu.memory_space<hbm>> -> memref<256xi32, #tpu.memory_space<hbm>>
    %dma_wait3A_61 = arith.constant 0 : i32
    %dma_wait3A_62 = tpu.memref_slice %arg9[%dma_wait3A_61] : memref<512xi32, #tpu.memory_space<vmem>> -> memref<256xi32, #tpu.memory_space<vmem>>
    %dma_wait3A_63 = tpu.memref_slice %arg2[%select_n3A, %mul3A_34] : memref<200x4096xi32, #tpu.memory_space<hbm>> -> memref<1x256xi32, #tpu.memory_space<hbm>>
    %dma_wait3A_64 = tpu.memref_squeeze %dma_wait3A_63 : memref<1x256xi32, #tpu.memory_space<hbm>> -> memref<256xi32, #tpu.memory_space<hbm>>
    tpu.wait_dma2 semaphore(%arg16 : memref<!tpu.dma_semaphore, #tpu.memory_space<semaphore_mem>>) src(%dma_wait3A_64 : memref<256xi32, #tpu.memory_space<hbm>>) dst(%dma_wait3A_62 : memref<256xi32, #tpu.memory_space<vmem>>)
    %dma_wait3A_65 = arith.constant 0 : i32
    %dma_wait3A_66 = tpu.memref_slice %arg10[%dma_wait3A_65] : memref<512xi32, #tpu.memory_space<vmem>> -> memref<256xi32, #tpu.memory_space<vmem>>
    %dma_wait3A_67 = tpu.memref_slice %arg3[%select_n3A, %mul3A_34] : memref<200x4096xi32, #tpu.memory_space<hbm>> -> memref<1x256xi32, #tpu.memory_space<hbm>>
    %dma_wait3A_68 = tpu.memref_squeeze %dma_wait3A_67 : memref<1x256xi32, #tpu.memory_space<hbm>> -> memref<256xi32, #tpu.memory_space<hbm>>
    %dma_wait3A_69 = arith.constant 0 : i32
    %dma_wait3A_70 = tpu.memref_slice %arg10[%dma_wait3A_69] : memref<512xi32, #tpu.memory_space<vmem>> -> memref<256xi32, #tpu.memory_space<vmem>>
    %dma_wait3A_71 = tpu.memref_slice %arg3[%select_n3A, %mul3A_34] : memref<200x4096xi32, #tpu.memory_space<hbm>> -> memref<1x256xi32, #tpu.memory_space<hbm>>
    %dma_wait3A_72 = tpu.memref_squeeze %dma_wait3A_71 : memref<1x256xi32, #tpu.memory_space<hbm>> -> memref<256xi32, #tpu.memory_space<hbm>>
    tpu.wait_dma2 semaphore(%arg16 : memref<!tpu.dma_semaphore, #tpu.memory_space<semaphore_mem>>) src(%dma_wait3A_72 : memref<256xi32, #tpu.memory_space<hbm>>) dst(%dma_wait3A_70 : memref<256xi32, #tpu.memory_space<vmem>>)
    %dma_wait3A_73 = arith.constant 0 : i32
    %dma_wait3A_74 = tpu.memref_slice %arg11[%dma_wait3A_73] : memref<512xi32, #tpu.memory_space<vmem>> -> memref<256xi32, #tpu.memory_space<vmem>>
    %dma_wait3A_75 = tpu.memref_slice %arg4[%select_n3A, %mul3A_34] : memref<200x4096xi32, #tpu.memory_space<hbm>> -> memref<1x256xi32, #tpu.memory_space<hbm>>
    %dma_wait3A_76 = tpu.memref_squeeze %dma_wait3A_75 : memref<1x256xi32, #tpu.memory_space<hbm>> -> memref<256xi32, #tpu.memory_space<hbm>>
    %dma_wait3A_77 = arith.constant 0 : i32
    %dma_wait3A_78 = tpu.memref_slice %arg11[%dma_wait3A_77] : memref<512xi32, #tpu.memory_space<vmem>> -> memref<256xi32, #tpu.memory_space<vmem>>
    %dma_wait3A_79 = tpu.memref_slice %arg4[%select_n3A, %mul3A_34] : memref<200x4096xi32, #tpu.memory_space<hbm>> -> memref<1x256xi32, #tpu.memory_space<hbm>>
    %dma_wait3A_80 = tpu.memref_squeeze %dma_wait3A_79 : memref<1x256xi32, #tpu.memory_space<hbm>> -> memref<256xi32, #tpu.memory_space<hbm>>
    tpu.wait_dma2 semaphore(%arg16 : memref<!tpu.dma_semaphore, #tpu.memory_space<semaphore_mem>>) src(%dma_wait3A_80 : memref<256xi32, #tpu.memory_space<hbm>>) dst(%dma_wait3A_78 : memref<256xi32, #tpu.memory_space<vmem>>)
    %scan3A = arith.constant 0 : i32
    %scan3A_81 = arith.constant 0 : i32
    %scan3A_82 = arith.constant 100 : i32
    %scan3A_83 = arith.addi %scan3A_81, %scan3A_82 : i32
    %scan3A_84 = arith.constant 1 : i32
    scf.for %scan3A_110 = %scan3A_81 to %scan3A_83 step %scan3A_84  : i32 {
      %add3A_111 = arith.addi %mul3A_2, %scan3A_110 : i32
      %rem3A_112 = arith.constant 2 : i32
      %rem3A_113 = arith.remsi %scan3A_110, %rem3A_112 : i32
      %sub3A_114 = arith.constant 1 : i32
      %sub3A_115 = arith.subi %sub3A_114, %rem3A_113 : i32
      %mul3A_116 = arith.constant 256 : i32
      %mul3A_117 = arith.muli %rem3A_113, %mul3A_116 : i32
      %jit3A_118 = arith.constant 16 : i32
      %div3A_119 = arith.divsi %add3A_111, %jit3A_118 : i32
      %sign3A_120 = arith.constant 0 : i32
      %sign3A_121 = arith.cmpi sgt, %add3A_111, %sign3A_120 : i32
      %sign3A_122 = arith.extui %sign3A_121 : i1 to i32
      %sign3A_123 = arith.constant 0 : i32
      %sign3A_124 = arith.cmpi slt, %add3A_111, %sign3A_123 : i32
      %sign3A_125 = arith.extui %sign3A_124 : i1 to i32
      %sign3A_126 = arith.subi %sign3A_122, %sign3A_125 : i32
      %sign3A_127 = arith.constant 0 : i32
      %sign3A_128 = arith.cmpi sgt, %jit3A_118, %sign3A_127 : i32
      %sign3A_129 = arith.extui %sign3A_128 : i1 to i32
      %sign3A_130 = arith.constant 0 : i32
      %sign3A_131 = arith.cmpi slt, %jit3A_118, %sign3A_130 : i32
      %sign3A_132 = arith.extui %sign3A_131 : i1 to i32
      %sign3A_133 = arith.subi %sign3A_129, %sign3A_132 : i32
      %ne3A_134 = arith.cmpi ne, %sign3A_126, %sign3A_133 : i32
      %rem3A_135 = arith.remsi %add3A_111, %jit3A_118 : i32
      %ne3A_136 = arith.constant 0 : i32
      %ne3A_137 = arith.cmpi ne, %rem3A_135, %ne3A_136 : i32
      %and3A_138 = arith.andi %ne3A_134, %ne3A_137 : i1
      %sub3A_139 = arith.constant 1 : i32
      %sub3A_140 = arith.subi %div3A_119, %sub3A_139 : i32
      %select_n3A_141 = arith.select %and3A_138, %sub3A_140, %div3A_119 : i32
      %jit3A_142 = arith.constant 16 : i32
      %eq3A_143 = arith.constant 0 : i32
      %eq3A_144 = arith.cmpi eq, %jit3A_142, %eq3A_143 : i32
      %jit3A_145 = arith.constant 1 : i32
      %select_n3A_146 = arith.select %eq3A_144, %jit3A_145, %jit3A_142 : i32
      %rem3A_147 = arith.remsi %add3A_111, %select_n3A_146 : i32
      %ne3A_148 = arith.constant 0 : i32
      %ne3A_149 = arith.cmpi ne, %rem3A_147, %ne3A_148 : i32
      %lt3A_150 = arith.constant 0 : i32
      %lt3A_151 = arith.cmpi slt, %rem3A_147, %lt3A_150 : i32
      %lt3A_152 = arith.constant 0 : i32
      %lt3A_153 = arith.cmpi slt, %select_n3A_146, %lt3A_152 : i32
      %ne3A_154 = arith.xori %lt3A_151, %lt3A_153 : i1
      %and3A_155 = arith.andi %ne3A_154, %ne3A_149 : i1
      %add3A_156 = arith.addi %rem3A_147, %select_n3A_146 : i32
      %select_n3A_157 = arith.select %and3A_155, %add3A_156, %rem3A_147 : i32
      %mul3A_158 = arith.constant 256 : i32
      %mul3A_159 = arith.muli %select_n3A_157, %mul3A_158 : i32
      %mul3A_160 = arith.constant 4096 : i32
      %mul3A_161 = arith.muli %select_n3A_141, %mul3A_160 : i32
      %add3A_162 = arith.addi %mul3A_161, %mul3A_159 : i32
      %add3A_163 = arith.constant 1 : i32
      %add3A_164 = arith.addi %scan3A_110, %add3A_163 : i32
      %lt3A_165 = arith.constant 100 : i32
      %lt3A_166 = arith.cmpi slt, %add3A_164, %lt3A_165 : i32
      %convert_element_type3A = arith.extui %lt3A_166 : i1 to i32
      %cond3A = arith.constant 0 : i32
      %cond3A_167 = arith.cmpi ne, %convert_element_type3A, %cond3A : i32
      scf.if %cond3A_167 {
        %add3A_203 = arith.constant 1 : i32
        %add3A_204 = arith.addi %add3A_111, %add3A_203 : i32
        %jit3A_205 = arith.constant 16 : i32
        %div3A_206 = arith.divsi %add3A_204, %jit3A_205 : i32
        %sign3A_207 = arith.constant 0 : i32
        %sign3A_208 = arith.cmpi sgt, %add3A_204, %sign3A_207 : i32
        %sign3A_209 = arith.extui %sign3A_208 : i1 to i32
        %sign3A_210 = arith.constant 0 : i32
        %sign3A_211 = arith.cmpi slt, %add3A_204, %sign3A_210 : i32
        %sign3A_212 = arith.extui %sign3A_211 : i1 to i32
        %sign3A_213 = arith.subi %sign3A_209, %sign3A_212 : i32
        %sign3A_214 = arith.constant 0 : i32
        %sign3A_215 = arith.cmpi sgt, %jit3A_205, %sign3A_214 : i32
        %sign3A_216 = arith.extui %sign3A_215 : i1 to i32
        %sign3A_217 = arith.constant 0 : i32
        %sign3A_218 = arith.cmpi slt, %jit3A_205, %sign3A_217 : i32
        %sign3A_219 = arith.extui %sign3A_218 : i1 to i32
        %sign3A_220 = arith.subi %sign3A_216, %sign3A_219 : i32
        %ne3A_221 = arith.cmpi ne, %sign3A_213, %sign3A_220 : i32
        %rem3A_222 = arith.remsi %add3A_204, %jit3A_205 : i32
        %ne3A_223 = arith.constant 0 : i32
        %ne3A_224 = arith.cmpi ne, %rem3A_222, %ne3A_223 : i32
        %and3A_225 = arith.andi %ne3A_221, %ne3A_224 : i1
        %sub3A_226 = arith.constant 1 : i32
        %sub3A_227 = arith.subi %div3A_206, %sub3A_226 : i32
        %select_n3A_228 = arith.select %and3A_225, %sub3A_227, %div3A_206 : i32
        %jit3A_229 = arith.constant 16 : i32
        %eq3A_230 = arith.constant 0 : i32
        %eq3A_231 = arith.cmpi eq, %jit3A_229, %eq3A_230 : i32
        %jit3A_232 = arith.constant 1 : i32
        %select_n3A_233 = arith.select %eq3A_231, %jit3A_232, %jit3A_229 : i32
        %rem3A_234 = arith.remsi %add3A_204, %select_n3A_233 : i32
        %ne3A_235 = arith.constant 0 : i32
        %ne3A_236 = arith.cmpi ne, %rem3A_234, %ne3A_235 : i32
        %lt3A_237 = arith.constant 0 : i32
        %lt3A_238 = arith.cmpi slt, %rem3A_234, %lt3A_237 : i32
        %lt3A_239 = arith.constant 0 : i32
        %lt3A_240 = arith.cmpi slt, %select_n3A_233, %lt3A_239 : i32
        %ne3A_241 = arith.xori %lt3A_238, %lt3A_240 : i1
        %and3A_242 = arith.andi %ne3A_241, %ne3A_236 : i1
        %add3A_243 = arith.addi %rem3A_234, %select_n3A_233 : i32
        %select_n3A_244 = arith.select %and3A_242, %add3A_243, %rem3A_234 : i32
        %mul3A_245 = arith.constant 256 : i32
        %mul3A_246 = arith.muli %select_n3A_244, %mul3A_245 : i32
        %mul3A_247 = arith.constant 256 : i32
        %mul3A_248 = arith.muli %sub3A_115, %mul3A_247 : i32
        %dma_start3A_249 = tpu.memref_slice %arg9[%mul3A_248] : memref<512xi32, #tpu.memory_space<vmem>> -> memref<256xi32, #tpu.memory_space<vmem>>
        %dma_start3A_250 = tpu.memref_slice %arg2[%select_n3A_228, %mul3A_246] : memref<200x4096xi32, #tpu.memory_space<hbm>> -> memref<1x256xi32, #tpu.memory_space<hbm>>
        %dma_start3A_251 = tpu.memref_squeeze %dma_start3A_250 : memref<1x256xi32, #tpu.memory_space<hbm>> -> memref<256xi32, #tpu.memory_space<hbm>>
        %dma_start3A_252 = tpu.memref_slice %arg9[%mul3A_248] : memref<512xi32, #tpu.memory_space<vmem>> -> memref<256xi32, #tpu.memory_space<vmem>>
        %dma_start3A_253 = tpu.memref_slice %arg2[%select_n3A_228, %mul3A_246] : memref<200x4096xi32, #tpu.memory_space<hbm>> -> memref<1x256xi32, #tpu.memory_space<hbm>>
        %dma_start3A_254 = tpu.memref_squeeze %dma_start3A_253 : memref<1x256xi32, #tpu.memory_space<hbm>> -> memref<256xi32, #tpu.memory_space<hbm>>
        tpu.enqueue_dma source(%dma_start3A_254 : memref<256xi32, #tpu.memory_space<hbm>>) target(%dma_start3A_252 : memref<256xi32, #tpu.memory_space<vmem>>) target_semaphore(%arg16 : memref<!tpu.dma_semaphore, #tpu.memory_space<semaphore_mem>>)
        %mul3A_255 = arith.constant 256 : i32
        %mul3A_256 = arith.muli %sub3A_115, %mul3A_255 : i32
        %dma_start3A_257 = tpu.memref_slice %arg10[%mul3A_256] : memref<512xi32, #tpu.memory_space<vmem>> -> memref<256xi32, #tpu.memory_space<vmem>>
        %dma_start3A_258 = tpu.memref_slice %arg3[%select_n3A_228, %mul3A_246] : memref<200x4096xi32, #tpu.memory_space<hbm>> -> memref<1x256xi32, #tpu.memory_space<hbm>>
        %dma_start3A_259 = tpu.memref_squeeze %dma_start3A_258 : memref<1x256xi32, #tpu.memory_space<hbm>> -> memref<256xi32, #tpu.memory_space<hbm>>
        %dma_start3A_260 = tpu.memref_slice %arg10[%mul3A_256] : memref<512xi32, #tpu.memory_space<vmem>> -> memref<256xi32, #tpu.memory_space<vmem>>
        %dma_start3A_261 = tpu.memref_slice %arg3[%select_n3A_228, %mul3A_246] : memref<200x4096xi32, #tpu.memory_space<hbm>> -> memref<1x256xi32, #tpu.memory_space<hbm>>
        %dma_start3A_262 = tpu.memref_squeeze %dma_start3A_261 : memref<1x256xi32, #tpu.memory_space<hbm>> -> memref<256xi32, #tpu.memory_space<hbm>>
        tpu.enqueue_dma source(%dma_start3A_262 : memref<256xi32, #tpu.memory_space<hbm>>) target(%dma_start3A_260 : memref<256xi32, #tpu.memory_space<vmem>>) target_semaphore(%arg16 : memref<!tpu.dma_semaphore, #tpu.memory_space<semaphore_mem>>)
        %mul3A_263 = arith.constant 256 : i32
        %mul3A_264 = arith.muli %sub3A_115, %mul3A_263 : i32
        %dma_start3A_265 = tpu.memref_slice %arg11[%mul3A_264] : memref<512xi32, #tpu.memory_space<vmem>> -> memref<256xi32, #tpu.memory_space<vmem>>
        %dma_start3A_266 = tpu.memref_slice %arg4[%select_n3A_228, %mul3A_246] : memref<200x4096xi32, #tpu.memory_space<hbm>> -> memref<1x256xi32, #tpu.memory_space<hbm>>
        %dma_start3A_267 = tpu.memref_squeeze %dma_start3A_266 : memref<1x256xi32, #tpu.memory_space<hbm>> -> memref<256xi32, #tpu.memory_space<hbm>>
        %dma_start3A_268 = tpu.memref_slice %arg11[%mul3A_264] : memref<512xi32, #tpu.memory_space<vmem>> -> memref<256xi32, #tpu.memory_space<vmem>>
        %dma_start3A_269 = tpu.memref_slice %arg4[%select_n3A_228, %mul3A_246] : memref<200x4096xi32, #tpu.memory_space<hbm>> -> memref<1x256xi32, #tpu.memory_space<hbm>>
        %dma_start3A_270 = tpu.memref_squeeze %dma_start3A_269 : memref<1x256xi32, #tpu.memory_space<hbm>> -> memref<256xi32, #tpu.memory_space<hbm>>
        tpu.enqueue_dma source(%dma_start3A_270 : memref<256xi32, #tpu.memory_space<hbm>>) target(%dma_start3A_268 : memref<256xi32, #tpu.memory_space<vmem>>) target_semaphore(%arg16 : memref<!tpu.dma_semaphore, #tpu.memory_space<semaphore_mem>>)
      } else {
      }
      %ge3A = arith.constant 2 : i32
      %ge3A_168 = arith.cmpi sge, %scan3A_110, %ge3A : i32
      %convert_element_type3A_169 = arith.extui %ge3A_168 : i1 to i32
      %cond3A_170 = arith.constant 0 : i32
      %cond3A_171 = arith.cmpi ne, %convert_element_type3A_169, %cond3A_170 : i32
      scf.if %cond3A_171 {
        %dma_wait3A_203 = arith.constant 0 : i32
        %dma_wait3A_204 = tpu.memref_slice %arg14[%mul3A_117, %dma_wait3A_203] : memref<512x128xf32, #tpu.memory_space<vmem>> -> memref<256x128xf32, #tpu.memory_space<vmem>>
        %dma_wait3A_205 = arith.constant 0 : i32
        %dma_wait3A_206 = arith.constant 0 : i32
        %dma_wait3A_207 = tpu.memref_slice %arg8[%dma_wait3A_205, %dma_wait3A_206] : memref<819200x128xf32, #tpu.memory_space<hbm>> -> memref<256x128xf32, #tpu.memory_space<hbm>>
        %dma_wait3A_208 = arith.constant 0 : i32
        %dma_wait3A_209 = arith.constant 0 : i32
        %dma_wait3A_210 = tpu.memref_slice %arg8[%dma_wait3A_208, %dma_wait3A_209] : memref<819200x128xf32, #tpu.memory_space<hbm>> -> memref<256x128xf32, #tpu.memory_space<hbm>>
        %dma_wait3A_211 = arith.constant 0 : i32
        %dma_wait3A_212 = tpu.memref_slice %arg14[%mul3A_117, %dma_wait3A_211] : memref<512x128xf32, #tpu.memory_space<vmem>> -> memref<256x128xf32, #tpu.memory_space<vmem>>
        tpu.wait_dma2 semaphore(%arg17 : memref<!tpu.dma_semaphore, #tpu.memory_space<semaphore_mem>>) src(%dma_wait3A_212 : memref<256x128xf32, #tpu.memory_space<vmem>>) dst(%dma_wait3A_210 : memref<256x128xf32, #tpu.memory_space<hbm>>)
      } else {
      }
      %scan3A_172 = arith.constant 0 : i32
      %scan3A_173 = arith.constant 0 : i32
      %scan3A_174 = arith.constant 16 : i32
      %scan3A_175 = arith.addi %scan3A_173, %scan3A_174 : i32
      %scan3A_176 = arith.constant 1 : i32
      scf.for %scan3A_203 = %scan3A_173 to %scan3A_175 step %scan3A_176  : i32 {
        %mul3A_204 = arith.constant 16 : i32
        %mul3A_205 = arith.muli %scan3A_203, %mul3A_204 : i32
        %add3A_206 = arith.addi %mul3A_117, %mul3A_205 : i32
        %get3A = arith.index_cast %add3A_206 : i32 to index
        %get3A_207 = tpu.vector_load %arg9[%get3A] {strides = array<i32>} : memref<512xi32, #tpu.memory_space<vmem>>, vector<16xi32>,
        %get3A_208 = vector.shape_cast %get3A_207 : vector<16xi32> to vector<16xi32>
        %get3A_209 = arith.index_cast %add3A_206 : i32 to index
        %get3A_210 = tpu.vector_load %arg10[%get3A_209] {strides = array<i32>} : memref<512xi32, #tpu.memory_space<vmem>>, vector<16xi32>,
        %get3A_211 = vector.shape_cast %get3A_210 : vector<16xi32> to vector<16xi32>
        %get3A_212 = arith.index_cast %add3A_206 : i32 to index
        %get3A_213 = tpu.vector_load %arg11[%get3A_212] {strides = array<i32>} : memref<512xi32, #tpu.memory_space<vmem>>, vector<16xi32>,
        %get3A_214 = vector.shape_cast %get3A_213 : vector<16xi32> to vector<16xi32>
        %add3A_215 = arith.constant 0 : i32
        %add3A_216 = arith.addi %add3A_206, %add3A_215 : i32
        %slice3A = vector.extract_strided_slice %get3A_208 {offsets = [0], sizes = [1], strides = [1]} : vector<16xi32> to vector<1xi32>
        %squeeze3A = vector.extract %slice3A[0] : i32 from vector<1xi32>
        %shift_right_arithmetic3A = arith.constant 13 : i32
        %shift_right_arithmetic3A_217 = arith.shrsi %squeeze3A, %shift_right_arithmetic3A : i32
        %shift_left3A = arith.constant 12 : i32
        %shift_left3A_218 = arith.shli %shift_right_arithmetic3A_217, %shift_left3A : i32
        %and3A_219 = arith.constant 4095 : i32
        %and3A_220 = arith.andi %squeeze3A, %and3A_219 : i32
        %add3A_221 = arith.addi %shift_left3A_218, %and3A_220 : i32
        %shift_right_arithmetic3A_222 = arith.constant 12 : i32
        %shift_right_arithmetic3A_223 = arith.shrsi %squeeze3A, %shift_right_arithmetic3A_222 : i32
        %and3A_224 = arith.constant 1 : i32
        %and3A_225 = arith.andi %shift_right_arithmetic3A_223, %and3A_224 : i32
        %mul3A_226 = arith.constant 64 : i32
        %mul3A_227 = arith.muli %and3A_225, %mul3A_226 : i32
        %dma_start3A_228 = arith.constant 0 : i32
        %dma_start3A_229 = tpu.memref_slice %arg14[%add3A_216, %dma_start3A_228] : memref<512x128xf32, #tpu.memory_space<vmem>> -> memref<1x64xf32, #tpu.memory_space<vmem>>
        %dma_start3A_230 = tpu.memref_squeeze %dma_start3A_229 : memref<1x64xf32, #tpu.memory_space<vmem>> -> memref<64xf32, #tpu.memory_space<vmem>>
        %dma_start3A_231 = tpu.memref_slice %arg5[%add3A_221, %mul3A_227] : memref<503808x128xf32, #tpu.memory_space<hbm>> -> memref<1x64xf32, #tpu.memory_space<hbm>>
        %dma_start3A_232 = tpu.memref_squeeze %dma_start3A_231 : memref<1x64xf32, #tpu.memory_space<hbm>> -> memref<64xf32, #tpu.memory_space<hbm>>
        %dma_start3A_233 = arith.constant 0 : i32
        %dma_start3A_234 = tpu.memref_slice %arg14[%add3A_216, %dma_start3A_233] : memref<512x128xf32, #tpu.memory_space<vmem>> -> memref<1x64xf32, #tpu.memory_space<vmem>>
        %dma_start3A_235 = tpu.memref_squeeze %dma_start3A_234 : memref<1x64xf32, #tpu.memory_space<vmem>> -> memref<64xf32, #tpu.memory_space<vmem>>
        %dma_start3A_236 = tpu.memref_slice %arg5[%add3A_221, %mul3A_227] : memref<503808x128xf32, #tpu.memory_space<hbm>> -> memref<1x64xf32, #tpu.memory_space<hbm>>
        %dma_start3A_237 = tpu.memref_squeeze %dma_start3A_236 : memref<1x64xf32, #tpu.memory_space<hbm>> -> memref<64xf32, #tpu.memory_space<hbm>>
        tpu.enqueue_dma source(%dma_start3A_237 : memref<64xf32, #tpu.memory_space<hbm>>) target(%dma_start3A_235 : memref<64xf32, #tpu.memory_space<vmem>>) target_semaphore(%arg15 : memref<!tpu.dma_semaphore, #tpu.memory_space<semaphore_mem>>)
        %slice3A_238 = vector.extract_strided_slice %get3A_211 {offsets = [0], sizes = [1], strides = [1]} : vector<16xi32> to vector<1xi32>
        %squeeze3A_239 = vector.extract %slice3A_238[0] : i32 from vector<1xi32>
        %get3A_240 = arith.index_cast %squeeze3A_239 : i32 to index
        %get3A_241 = arith.constant 0 : index
        %get3A_242 = tpu.vector_load %arg12[%get3A_240, %get3A_241] {strides = array<i32>} : memref<512x16xf32, #tpu.memory_space<vmem>>, vector<1x16xf32>,
        %get3A_243 = vector.shape_cast %get3A_242 : vector<1x16xf32> to vector<16xf32>
        %swap3A = arith.index_cast %add3A_216 : i32 to index
        %swap3A_244 = arith.constant 64 : index
        %swap3A_245 = tpu.vector_load %arg14[%swap3A, %swap3A_244] {strides = array<i32>} : memref<512x128xf32, #tpu.memory_space<vmem>>, vector<1x16xf32>,
        %swap3A_246 = vector.shape_cast %swap3A_245 : vector<1x16xf32> to vector<16xf32>
        %swap3A_247 = vector.shape_cast %get3A_243 : vector<16xf32> to vector<1x16xf32>
        tpu.vector_store %arg14[%swap3A, %swap3A_244], %swap3A_247 {strides = array<i32>} : memref<512x128xf32, #tpu.memory_space<vmem>>, vector<1x16xf32>,
        %slice3A_248 = vector.extract_strided_slice %get3A_214 {offsets = [0], sizes = [1], strides = [1]} : vector<16xi32> to vector<1xi32>
        %squeeze3A_249 = vector.extract %slice3A_248[0] : i32 from vector<1xi32>
        %get3A_250 = arith.index_cast %squeeze3A_249 : i32 to index
        %get3A_251 = arith.constant 0 : index
        %get3A_252 = tpu.vector_load %arg13[%get3A_250, %get3A_251] {strides = array<i32>} : memref<512x16xf32, #tpu.memory_space<vmem>>, vector<1x16xf32>,
        %get3A_253 = vector.shape_cast %get3A_252 : vector<1x16xf32> to vector<16xf32>
        %swap3A_254 = arith.index_cast %add3A_216 : i32 to index
        %swap3A_255 = arith.constant 80 : index
        %swap3A_256 = tpu.vector_load %arg14[%swap3A_254, %swap3A_255] {strides = array<i32>} : memref<512x128xf32, #tpu.memory_space<vmem>>, vector<1x16xf32>,
        %swap3A_257 = vector.shape_cast %swap3A_256 : vector<1x16xf32> to vector<16xf32>
        %swap3A_258 = vector.shape_cast %get3A_253 : vector<16xf32> to vector<1x16xf32>
        tpu.vector_store %arg14[%swap3A_254, %swap3A_255], %swap3A_258 {strides = array<i32>} : memref<512x128xf32, #tpu.memory_space<vmem>>, vector<1x16xf32>,
        %add3A_259 = arith.constant 1 : i32
        %add3A_260 = arith.addi %add3A_206, %add3A_259 : i32
        %slice3A_261 = vector.extract_strided_slice %get3A_208 {offsets = [1], sizes = [1], strides = [1]} : vector<16xi32> to vector<1xi32>
        %squeeze3A_262 = vector.extract %slice3A_261[0] : i32 from vector<1xi32>
        %shift_right_arithmetic3A_263 = arith.constant 13 : i32
        %shift_right_arithmetic3A_264 = arith.shrsi %squeeze3A_262, %shift_right_arithmetic3A_263 : i32
        %shift_left3A_265 = arith.constant 12 : i32
        %shift_left3A_266 = arith.shli %shift_right_arithmetic3A_264, %shift_left3A_265 : i32
        %and3A_267 = arith.constant 4095 : i32
        %and3A_268 = arith.andi %squeeze3A_262, %and3A_267 : i32
        %add3A_269 = arith.addi %shift_left3A_266, %and3A_268 : i32
        %shift_right_arithmetic3A_270 = arith.constant 12 : i32
        %shift_right_arithmetic3A_271 = arith.shrsi %squeeze3A_262, %shift_right_arithmetic3A_270 : i32
        %and3A_272 = arith.constant 1 : i32
        %and3A_273 = arith.andi %shift_right_arithmetic3A_271, %and3A_272 : i32
        %mul3A_274 = arith.constant 64 : i32
        %mul3A_275 = arith.muli %and3A_273, %mul3A_274 : i32
        %dma_start3A_276 = arith.constant 0 : i32
        %dma_start3A_277 = tpu.memref_slice %arg14[%add3A_260, %dma_start3A_276] : memref<512x128xf32, #tpu.memory_space<vmem>> -> memref<1x64xf32, #tpu.memory_space<vmem>>
        %dma_start3A_278 = tpu.memref_squeeze %dma_start3A_277 : memref<1x64xf32, #tpu.memory_space<vmem>> -> memref<64xf32, #tpu.memory_space<vmem>>
        %dma_start3A_279 = tpu.memref_slice %arg5[%add3A_269, %mul3A_275] : memref<503808x128xf32, #tpu.memory_space<hbm>> -> memref<1x64xf32, #tpu.memory_space<hbm>>
        %dma_start3A_280 = tpu.memref_squeeze %dma_start3A_279 : memref<1x64xf32, #tpu.memory_space<hbm>> -> memref<64xf32, #tpu.memory_space<hbm>>
        %dma_start3A_281 = arith.constant 0 : i32
        %dma_start3A_282 = tpu.memref_slice %arg14[%add3A_260, %dma_start3A_281] : memref<512x128xf32, #tpu.memory_space<vmem>> -> memref<1x64xf32, #tpu.memory_space<vmem>>
        %dma_start3A_283 = tpu.memref_squeeze %dma_start3A_282 : memref<1x64xf32, #tpu.memory_space<vmem>> -> memref<64xf32, #tpu.memory_space<vmem>>
        %dma_start3A_284 = tpu.memref_slice %arg5[%add3A_269, %mul3A_275] : memref<503808x128xf32, #tpu.memory_space<hbm>> -> memref<1x64xf32, #tpu.memory_space<hbm>>
        %dma_start3A_285 = tpu.memref_squeeze %dma_start3A_284 : memref<1x64xf32, #tpu.memory_space<hbm>> -> memref<64xf32, #tpu.memory_space<hbm>>
        tpu.enqueue_dma source(%dma_start3A_285 : memref<64xf32, #tpu.memory_space<hbm>>) target(%dma_start3A_283 : memref<64xf32, #tpu.memory_space<vmem>>) target_semaphore(%arg15 : memref<!tpu.dma_semaphore, #tpu.memory_space<semaphore_mem>>)
        %slice3A_286 = vector.extract_strided_slice %get3A_211 {offsets = [1], sizes = [1], strides = [1]} : vector<16xi32> to vector<1xi32>
        %squeeze3A_287 = vector.extract %slice3A_286[0] : i32 from vector<1xi32>
        %get3A_288 = arith.index_cast %squeeze3A_287 : i32 to index
        %get3A_289 = arith.constant 0 : index
        %get3A_290 = tpu.vector_load %arg12[%get3A_288, %get3A_289] {strides = array<i32>} : memref<512x16xf32, #tpu.memory_space<vmem>>, vector<1x16xf32>,
        %get3A_291 = vector.shape_cast %get3A_290 : vector<1x16xf32> to vector<16xf32>
        %swap3A_292 = arith.index_cast %add3A_260 : i32 to index
        %swap3A_293 = arith.constant 64 : index
        %swap3A_294 = tpu.vector_load %arg14[%swap3A_292, %swap3A_293] {strides = array<i32>} : memref<512x128xf32, #tpu.memory_space<vmem>>, vector<1x16xf32>,
        %swap3A_295 = vector.shape_cast %swap3A_294 : vector<1x16xf32> to vector<16xf32>
        %swap3A_296 = vector.shape_cast %get3A_291 : vector<16xf32> to vector<1x16xf32>
        tpu.vector_store %arg14[%swap3A_292, %swap3A_293], %swap3A_296 {strides = array<i32>} : memref<512x128xf32, #tpu.memory_space<vmem>>, vector<1x16xf32>,
        %slice3A_297 = vector.extract_strided_slice %get3A_214 {offsets = [1], sizes = [1], strides = [1]} : vector<16xi32> to vector<1xi32>
        %squeeze3A_298 = vector.extract %slice3A_297[0] : i32 from vector<1xi32>
        %get3A_299 = arith.index_cast %squeeze3A_298 : i32 to index
        %get3A_300 = arith.constant 0 : index
        %get3A_301 = tpu.vector_load %arg13[%get3A_299, %get3A_300] {strides = array<i32>} : memref<512x16xf32, #tpu.memory_space<vmem>>, vector<1x16xf32>,
        %get3A_302 = vector.shape_cast %get3A_301 : vector<1x16xf32> to vector<16xf32>
        %swap3A_303 = arith.index_cast %add3A_260 : i32 to index
        %swap3A_304 = arith.constant 80 : index
        %swap3A_305 = tpu.vector_load %arg14[%swap3A_303, %swap3A_304] {strides = array<i32>} : memref<512x128xf32, #tpu.memory_space<vmem>>, vector<1x16xf32>,
        %swap3A_306 = vector.shape_cast %swap3A_305 : vector<1x16xf32> to vector<16xf32>
        %swap3A_307 = vector.shape_cast %get3A_302 : vector<16xf32> to vector<1x16xf32>
        tpu.vector_store %arg14[%swap3A_303, %swap3A_304], %swap3A_307 {strides = array<i32>} : memref<512x128xf32, #tpu.memory_space<vmem>>, vector<1x16xf32>,
        %add3A_308 = arith.constant 2 : i32
        %add3A_309 = arith.addi %add3A_206, %add3A_308 : i32
        %slice3A_310 = vector.extract_strided_slice %get3A_208 {offsets = [2], sizes = [1], strides = [1]} : vector<16xi32> to vector<1xi32>
        %squeeze3A_311 = vector.extract %slice3A_310[0] : i32 from vector<1xi32>
        %shift_right_arithmetic3A_312 = arith.constant 13 : i32
        %shift_right_arithmetic3A_313 = arith.shrsi %squeeze3A_311, %shift_right_arithmetic3A_312 : i32
        %shift_left3A_314 = arith.constant 12 : i32
        %shift_left3A_315 = arith.shli %shift_right_arithmetic3A_313, %shift_left3A_314 : i32
        %and3A_316 = arith.constant 4095 : i32
        %and3A_317 = arith.andi %squeeze3A_311, %and3A_316 : i32
        %add3A_318 = arith.addi %shift_left3A_315, %and3A_317 : i32
        %shift_right_arithmetic3A_319 = arith.constant 12 : i32
        %shift_right_arithmetic3A_320 = arith.shrsi %squeeze3A_311, %shift_right_arithmetic3A_319 : i32
        %and3A_321 = arith.constant 1 : i32
        %and3A_322 = arith.andi %shift_right_arithmetic3A_320, %and3A_321 : i32
        %mul3A_323 = arith.constant 64 : i32
        %mul3A_324 = arith.muli %and3A_322, %mul3A_323 : i32
        %dma_start3A_325 = arith.constant 0 : i32
        %dma_start3A_326 = tpu.memref_slice %arg14[%add3A_309, %dma_start3A_325] : memref<512x128xf32, #tpu.memory_space<vmem>> -> memref<1x64xf32, #tpu.memory_space<vmem>>
        %dma_start3A_327 = tpu.memref_squeeze %dma_start3A_326 : memref<1x64xf32, #tpu.memory_space<vmem>> -> memref<64xf32, #tpu.memory_space<vmem>>
        %dma_start3A_328 = tpu.memref_slice %arg5[%add3A_318, %mul3A_324] : memref<503808x128xf32, #tpu.memory_space<hbm>> -> memref<1x64xf32, #tpu.memory_space<hbm>>
        %dma_start3A_329 = tpu.memref_squeeze %dma_start3A_328 : memref<1x64xf32, #tpu.memory_space<hbm>> -> memref<64xf32, #tpu.memory_space<hbm>>
        %dma_start3A_330 = arith.constant 0 : i32
        %dma_start3A_331 = tpu.memref_slice %arg14[%add3A_309, %dma_start3A_330] : memref<512x128xf32, #tpu.memory_space<vmem>> -> memref<1x64xf32, #tpu.memory_space<vmem>>
        %dma_start3A_332 = tpu.memref_squeeze %dma_start3A_331 : memref<1x64xf32, #tpu.memory_space<vmem>> -> memref<64xf32, #tpu.memory_space<vmem>>
        %dma_start3A_333 = tpu.memref_slice %arg5[%add3A_318, %mul3A_324] : memref<503808x128xf32, #tpu.memory_space<hbm>> -> memref<1x64xf32, #tpu.memory_space<hbm>>
        %dma_start3A_334 = tpu.memref_squeeze %dma_start3A_333 : memref<1x64xf32, #tpu.memory_space<hbm>> -> memref<64xf32, #tpu.memory_space<hbm>>
        tpu.enqueue_dma source(%dma_start3A_334 : memref<64xf32, #tpu.memory_space<hbm>>) target(%dma_start3A_332 : memref<64xf32, #tpu.memory_space<vmem>>) target_semaphore(%arg15 : memref<!tpu.dma_semaphore, #tpu.memory_space<semaphore_mem>>)
        %slice3A_335 = vector.extract_strided_slice %get3A_211 {offsets = [2], sizes = [1], strides = [1]} : vector<16xi32> to vector<1xi32>
        %squeeze3A_336 = vector.extract %slice3A_335[0] : i32 from vector<1xi32>
        %get3A_337 = arith.index_cast %squeeze3A_336 : i32 to index
        %get3A_338 = arith.constant 0 : index
        %get3A_339 = tpu.vector_load %arg12[%get3A_337, %get3A_338] {strides = array<i32>} : memref<512x16xf32, #tpu.memory_space<vmem>>, vector<1x16xf32>,
        %get3A_340 = vector.shape_cast %get3A_339 : vector<1x16xf32> to vector<16xf32>
        %swap3A_341 = arith.index_cast %add3A_309 : i32 to index
        %swap3A_342 = arith.constant 64 : index
        %swap3A_343 = tpu.vector_load %arg14[%swap3A_341, %swap3A_342] {strides = array<i32>} : memref<512x128xf32, #tpu.memory_space<vmem>>, vector<1x16xf32>,
        %swap3A_344 = vector.shape_cast %swap3A_343 : vector<1x16xf32> to vector<16xf32>
        %swap3A_345 = vector.shape_cast %get3A_340 : vector<16xf32> to vector<1x16xf32>
        tpu.vector_store %arg14[%swap3A_341, %swap3A_342], %swap3A_345 {strides = array<i32>} : memref<512x128xf32, #tpu.memory_space<vmem>>, vector<1x16xf32>,
        %slice3A_346 = vector.extract_strided_slice %get3A_214 {offsets = [2], sizes = [1], strides = [1]} : vector<16xi32> to vector<1xi32>
        %squeeze3A_347 = vector.extract %slice3A_346[0] : i32 from vector<1xi32>
        %get3A_348 = arith.index_cast %squeeze3A_347 : i32 to index
        %get3A_349 = arith.constant 0 : index
        %get3A_350 = tpu.vector_load %arg13[%get3A_348, %get3A_349] {strides = array<i32>} : memref<512x16xf32, #tpu.memory_space<vmem>>, vector<1x16xf32>,
        %get3A_351 = vector.shape_cast %get3A_350 : vector<1x16xf32> to vector<16xf32>
        %swap3A_352 = arith.index_cast %add3A_309 : i32 to index
        %swap3A_353 = arith.constant 80 : index
        %swap3A_354 = tpu.vector_load %arg14[%swap3A_352, %swap3A_353] {strides = array<i32>} : memref<512x128xf32, #tpu.memory_space<vmem>>, vector<1x16xf32>,
        %swap3A_355 = vector.shape_cast %swap3A_354 : vector<1x16xf32> to vector<16xf32>
        %swap3A_356 = vector.shape_cast %get3A_351 : vector<16xf32> to vector<1x16xf32>
        tpu.vector_store %arg14[%swap3A_352, %swap3A_353], %swap3A_356 {strides = array<i32>} : memref<512x128xf32, #tpu.memory_space<vmem>>, vector<1x16xf32>,
        %add3A_357 = arith.constant 3 : i32
        %add3A_358 = arith.addi %add3A_206, %add3A_357 : i32
        %slice3A_359 = vector.extract_strided_slice %get3A_208 {offsets = [3], sizes = [1], strides = [1]} : vector<16xi32> to vector<1xi32>
        %squeeze3A_360 = vector.extract %slice3A_359[0] : i32 from vector<1xi32>
        %shift_right_arithmetic3A_361 = arith.constant 13 : i32
        %shift_right_arithmetic3A_362 = arith.shrsi %squeeze3A_360, %shift_right_arithmetic3A_361 : i32
        %shift_left3A_363 = arith.constant 12 : i32
        %shift_left3A_364 = arith.shli %shift_right_arithmetic3A_362, %shift_left3A_363 : i32
        %and3A_365 = arith.constant 4095 : i32
        %and3A_366 = arith.andi %squeeze3A_360, %and3A_365 : i32
        %add3A_367 = arith.addi %shift_left3A_364, %and3A_366 : i32
        %shift_right_arithmetic3A_368 = arith.constant 12 : i32
        %shift_right_arithmetic3A_369 = arith.shrsi %squeeze3A_360, %shift_right_arithmetic3A_368 : i32
        %and3A_370 = arith.constant 1 : i32
        %and3A_371 = arith.andi %shift_right_arithmetic3A_369, %and3A_370 : i32
        %mul3A_372 = arith.constant 64 : i32
        %mul3A_373 = arith.muli %and3A_371, %mul3A_372 : i32
        %dma_start3A_374 = arith.constant 0 : i32
        %dma_start3A_375 = tpu.memref_slice %arg14[%add3A_358, %dma_start3A_374] : memref<512x128xf32, #tpu.memory_space<vmem>> -> memref<1x64xf32, #tpu.memory_space<vmem>>
        %dma_start3A_376 = tpu.memref_squeeze %dma_start3A_375 : memref<1x64xf32, #tpu.memory_space<vmem>> -> memref<64xf32, #tpu.memory_space<vmem>>
        %dma_start3A_377 = tpu.memref_slice %arg5[%add3A_367, %mul3A_373] : memref<503808x128xf32, #tpu.memory_space<hbm>> -> memref<1x64xf32, #tpu.memory_space<hbm>>
        %dma_start3A_378 = tpu.memref_squeeze %dma_start3A_377 : memref<1x64xf32, #tpu.memory_space<hbm>> -> memref<64xf32, #tpu.memory_space<hbm>>
        %dma_start3A_379 = arith.constant 0 : i32
        %dma_start3A_380 = tpu.memref_slice %arg14[%add3A_358, %dma_start3A_379] : memref<512x128xf32, #tpu.memory_space<vmem>> -> memref<1x64xf32, #tpu.memory_space<vmem>>
        %dma_start3A_381 = tpu.memref_squeeze %dma_start3A_380 : memref<1x64xf32, #tpu.memory_space<vmem>> -> memref<64xf32, #tpu.memory_space<vmem>>
        %dma_start3A_382 = tpu.memref_slice %arg5[%add3A_367, %mul3A_373] : memref<503808x128xf32, #tpu.memory_space<hbm>> -> memref<1x64xf32, #tpu.memory_space<hbm>>
        %dma_start3A_383 = tpu.memref_squeeze %dma_start3A_382 : memref<1x64xf32, #tpu.memory_space<hbm>> -> memref<64xf32, #tpu.memory_space<hbm>>
        tpu.enqueue_dma source(%dma_start3A_383 : memref<64xf32, #tpu.memory_space<hbm>>) target(%dma_start3A_381 : memref<64xf32, #tpu.memory_space<vmem>>) target_semaphore(%arg15 : memref<!tpu.dma_semaphore, #tpu.memory_space<semaphore_mem>>)
        %slice3A_384 = vector.extract_strided_slice %get3A_211 {offsets = [3], sizes = [1], strides = [1]} : vector<16xi32> to vector<1xi32>
        %squeeze3A_385 = vector.extract %slice3A_384[0] : i32 from vector<1xi32>
        %get3A_386 = arith.index_cast %squeeze3A_385 : i32 to index
        %get3A_387 = arith.constant 0 : index
        %get3A_388 = tpu.vector_load %arg12[%get3A_386, %get3A_387] {strides = array<i32>} : memref<512x16xf32, #tpu.memory_space<vmem>>, vector<1x16xf32>,
        %get3A_389 = vector.shape_cast %get3A_388 : vector<1x16xf32> to vector<16xf32>
        %swap3A_390 = arith.index_cast %add3A_358 : i32 to index
        %swap3A_391 = arith.constant 64 : index
        %swap3A_392 = tpu.vector_load %arg14[%swap3A_390, %swap3A_391] {strides = array<i32>} : memref<512x128xf32, #tpu.memory_space<vmem>>, vector<1x16xf32>,
        %swap3A_393 = vector.shape_cast %swap3A_392 : vector<1x16xf32> to vector<16xf32>
        %swap3A_394 = vector.shape_cast %get3A_389 : vector<16xf32> to vector<1x16xf32>
        tpu.vector_store %arg14[%swap3A_390, %swap3A_391], %swap3A_394 {strides = array<i32>} : memref<512x128xf32, #tpu.memory_space<vmem>>, vector<1x16xf32>,
        %slice3A_395 = vector.extract_strided_slice %get3A_214 {offsets = [3], sizes = [1], strides = [1]} : vector<16xi32> to vector<1xi32>
        %squeeze3A_396 = vector.extract %slice3A_395[0] : i32 from vector<1xi32>
        %get3A_397 = arith.index_cast %squeeze3A_396 : i32 to index
        %get3A_398 = arith.constant 0 : index
        %get3A_399 = tpu.vector_load %arg13[%get3A_397, %get3A_398] {strides = array<i32>} : memref<512x16xf32, #tpu.memory_space<vmem>>, vector<1x16xf32>,
        %get3A_400 = vector.shape_cast %get3A_399 : vector<1x16xf32> to vector<16xf32>
        %swap3A_401 = arith.index_cast %add3A_358 : i32 to index
        %swap3A_402 = arith.constant 80 : index
        %swap3A_403 = tpu.vector_load %arg14[%swap3A_401, %swap3A_402] {strides = array<i32>} : memref<512x128xf32, #tpu.memory_space<vmem>>, vector<1x16xf32>,
        %swap3A_404 = vector.shape_cast %swap3A_403 : vector<1x16xf32> to vector<16xf32>
        %swap3A_405 = vector.shape_cast %get3A_400 : vector<16xf32> to vector<1x16xf32>
        tpu.vector_store %arg14[%swap3A_401, %swap3A_402], %swap3A_405 {strides = array<i32>} : memref<512x128xf32, #tpu.memory_space<vmem>>, vector<1x16xf32>,
        %add3A_406 = arith.constant 4 : i32
        %add3A_407 = arith.addi %add3A_206, %add3A_406 : i32
        %slice3A_408 = vector.extract_strided_slice %get3A_208 {offsets = [4], sizes = [1], strides = [1]} : vector<16xi32> to vector<1xi32>
        %squeeze3A_409 = vector.extract %slice3A_408[0] : i32 from vector<1xi32>
        %shift_right_arithmetic3A_410 = arith.constant 13 : i32
        %shift_right_arithmetic3A_411 = arith.shrsi %squeeze3A_409, %shift_right_arithmetic3A_410 : i32
        %shift_left3A_412 = arith.constant 12 : i32
        %shift_left3A_413 = arith.shli %shift_right_arithmetic3A_411, %shift_left3A_412 : i32
        %and3A_414 = arith.constant 4095 : i32
        %and3A_415 = arith.andi %squeeze3A_409, %and3A_414 : i32
        %add3A_416 = arith.addi %shift_left3A_413, %and3A_415 : i32
        %shift_right_arithmetic3A_417 = arith.constant 12 : i32
        %shift_right_arithmetic3A_418 = arith.shrsi %squeeze3A_409, %shift_right_arithmetic3A_417 : i32
        %and3A_419 = arith.constant 1 : i32
        %and3A_420 = arith.andi %shift_right_arithmetic3A_418, %and3A_419 : i32
        %mul3A_421 = arith.constant 64 : i32
        %mul3A_422 = arith.muli %and3A_420, %mul3A_421 : i32
        %dma_start3A_423 = arith.constant 0 : i32
        %dma_start3A_424 = tpu.memref_slice %arg14[%add3A_407, %dma_start3A_423] : memref<512x128xf32, #tpu.memory_space<vmem>> -> memref<1x64xf32, #tpu.memory_space<vmem>>
        %dma_start3A_425 = tpu.memref_squeeze %dma_start3A_424 : memref<1x64xf32, #tpu.memory_space<vmem>> -> memref<64xf32, #tpu.memory_space<vmem>>
        %dma_start3A_426 = tpu.memref_slice %arg5[%add3A_416, %mul3A_422] : memref<503808x128xf32, #tpu.memory_space<hbm>> -> memref<1x64xf32, #tpu.memory_space<hbm>>
        %dma_start3A_427 = tpu.memref_squeeze %dma_start3A_426 : memref<1x64xf32, #tpu.memory_space<hbm>> -> memref<64xf32, #tpu.memory_space<hbm>>
        %dma_start3A_428 = arith.constant 0 : i32
        %dma_start3A_429 = tpu.memref_slice %arg14[%add3A_407, %dma_start3A_428] : memref<512x128xf32, #tpu.memory_space<vmem>> -> memref<1x64xf32, #tpu.memory_space<vmem>>
        %dma_start3A_430 = tpu.memref_squeeze %dma_start3A_429 : memref<1x64xf32, #tpu.memory_space<vmem>> -> memref<64xf32, #tpu.memory_space<vmem>>
        %dma_start3A_431 = tpu.memref_slice %arg5[%add3A_416, %mul3A_422] : memref<503808x128xf32, #tpu.memory_space<hbm>> -> memref<1x64xf32, #tpu.memory_space<hbm>>
        %dma_start3A_432 = tpu.memref_squeeze %dma_start3A_431 : memref<1x64xf32, #tpu.memory_space<hbm>> -> memref<64xf32, #tpu.memory_space<hbm>>
        tpu.enqueue_dma source(%dma_start3A_432 : memref<64xf32, #tpu.memory_space<hbm>>) target(%dma_start3A_430 : memref<64xf32, #tpu.memory_space<vmem>>) target_semaphore(%arg15 : memref<!tpu.dma_semaphore, #tpu.memory_space<semaphore_mem>>)
        %slice3A_433 = vector.extract_strided_slice %get3A_211 {offsets = [4], sizes = [1], strides = [1]} : vector<16xi32> to vector<1xi32>
        %squeeze3A_434 = vector.extract %slice3A_433[0] : i32 from vector<1xi32>
        %get3A_435 = arith.index_cast %squeeze3A_434 : i32 to index
        %get3A_436 = arith.constant 0 : index
        %get3A_437 = tpu.vector_load %arg12[%get3A_435, %get3A_436] {strides = array<i32>} : memref<512x16xf32, #tpu.memory_space<vmem>>, vector<1x16xf32>,
        %get3A_438 = vector.shape_cast %get3A_437 : vector<1x16xf32> to vector<16xf32>
        %swap3A_439 = arith.index_cast %add3A_407 : i32 to index
        %swap3A_440 = arith.constant 64 : index
        %swap3A_441 = tpu.vector_load %arg14[%swap3A_439, %swap3A_440] {strides = array<i32>} : memref<512x128xf32, #tpu.memory_space<vmem>>, vector<1x16xf32>,
        %swap3A_442 = vector.shape_cast %swap3A_441 : vector<1x16xf32> to vector<16xf32>
        %swap3A_443 = vector.shape_cast %get3A_438 : vector<16xf32> to vector<1x16xf32>
        tpu.vector_store %arg14[%swap3A_439, %swap3A_440], %swap3A_443 {strides = array<i32>} : memref<512x128xf32, #tpu.memory_space<vmem>>, vector<1x16xf32>,
        %slice3A_444 = vector.extract_strided_slice %get3A_214 {offsets = [4], sizes = [1], strides = [1]} : vector<16xi32> to vector<1xi32>
        %squeeze3A_445 = vector.extract %slice3A_444[0] : i32 from vector<1xi32>
        %get3A_446 = arith.index_cast %squeeze3A_445 : i32 to index
        %get3A_447 = arith.constant 0 : index
        %get3A_448 = tpu.vector_load %arg13[%get3A_446, %get3A_447] {strides = array<i32>} : memref<512x16xf32, #tpu.memory_space<vmem>>, vector<1x16xf32>,
        %get3A_449 = vector.shape_cast %get3A_448 : vector<1x16xf32> to vector<16xf32>
        %swap3A_450 = arith.index_cast %add3A_407 : i32 to index
        %swap3A_451 = arith.constant 80 : index
        %swap3A_452 = tpu.vector_load %arg14[%swap3A_450, %swap3A_451] {strides = array<i32>} : memref<512x128xf32, #tpu.memory_space<vmem>>, vector<1x16xf32>,
        %swap3A_453 = vector.shape_cast %swap3A_452 : vector<1x16xf32> to vector<16xf32>
        %swap3A_454 = vector.shape_cast %get3A_449 : vector<16xf32> to vector<1x16xf32>
        tpu.vector_store %arg14[%swap3A_450, %swap3A_451], %swap3A_454 {strides = array<i32>} : memref<512x128xf32, #tpu.memory_space<vmem>>, vector<1x16xf32>,
        %add3A_455 = arith.constant 5 : i32
        %add3A_456 = arith.addi %add3A_206, %add3A_455 : i32
        %slice3A_457 = vector.extract_strided_slice %get3A_208 {offsets = [5], sizes = [1], strides = [1]} : vector<16xi32> to vector<1xi32>
        %squeeze3A_458 = vector.extract %slice3A_457[0] : i32 from vector<1xi32>
        %shift_right_arithmetic3A_459 = arith.constant 13 : i32
        %shift_right_arithmetic3A_460 = arith.shrsi %squeeze3A_458, %shift_right_arithmetic3A_459 : i32
        %shift_left3A_461 = arith.constant 12 : i32
        %shift_left3A_462 = arith.shli %shift_right_arithmetic3A_460, %shift_left3A_461 : i32
        %and3A_463 = arith.constant 4095 : i32
        %and3A_464 = arith.andi %squeeze3A_458, %and3A_463 : i32
        %add3A_465 = arith.addi %shift_left3A_462, %and3A_464 : i32
        %shift_right_arithmetic3A_466 = arith.constant 12 : i32
        %shift_right_arithmetic3A_467 = arith.shrsi %squeeze3A_458, %shift_right_arithmetic3A_466 : i32
        %and3A_468 = arith.constant 1 : i32
        %and3A_469 = arith.andi %shift_right_arithmetic3A_467, %and3A_468 : i32
        %mul3A_470 = arith.constant 64 : i32
        %mul3A_471 = arith.muli %and3A_469, %mul3A_470 : i32
        %dma_start3A_472 = arith.constant 0 : i32
        %dma_start3A_473 = tpu.memref_slice %arg14[%add3A_456, %dma_start3A_472] : memref<512x128xf32, #tpu.memory_space<vmem>> -> memref<1x64xf32, #tpu.memory_space<vmem>>
        %dma_start3A_474 = tpu.memref_squeeze %dma_start3A_473 : memref<1x64xf32, #tpu.memory_space<vmem>> -> memref<64xf32, #tpu.memory_space<vmem>>
        %dma_start3A_475 = tpu.memref_slice %arg5[%add3A_465, %mul3A_471] : memref<503808x128xf32, #tpu.memory_space<hbm>> -> memref<1x64xf32, #tpu.memory_space<hbm>>
        %dma_start3A_476 = tpu.memref_squeeze %dma_start3A_475 : memref<1x64xf32, #tpu.memory_space<hbm>> -> memref<64xf32, #tpu.memory_space<hbm>>
        %dma_start3A_477 = arith.constant 0 : i32
        %dma_start3A_478 = tpu.memref_slice %arg14[%add3A_456, %dma_start3A_477] : memref<512x128xf32, #tpu.memory_space<vmem>> -> memref<1x64xf32, #tpu.memory_space<vmem>>
        %dma_start3A_479 = tpu.memref_squeeze %dma_start3A_478 : memref<1x64xf32, #tpu.memory_space<vmem>> -> memref<64xf32, #tpu.memory_space<vmem>>
        %dma_start3A_480 = tpu.memref_slice %arg5[%add3A_465, %mul3A_471] : memref<503808x128xf32, #tpu.memory_space<hbm>> -> memref<1x64xf32, #tpu.memory_space<hbm>>
        %dma_start3A_481 = tpu.memref_squeeze %dma_start3A_480 : memref<1x64xf32, #tpu.memory_space<hbm>> -> memref<64xf32, #tpu.memory_space<hbm>>
        tpu.enqueue_dma source(%dma_start3A_481 : memref<64xf32, #tpu.memory_space<hbm>>) target(%dma_start3A_479 : memref<64xf32, #tpu.memory_space<vmem>>) target_semaphore(%arg15 : memref<!tpu.dma_semaphore, #tpu.memory_space<semaphore_mem>>)
        %slice3A_482 = vector.extract_strided_slice %get3A_211 {offsets = [5], sizes = [1], strides = [1]} : vector<16xi32> to vector<1xi32>
        %squeeze3A_483 = vector.extract %slice3A_482[0] : i32 from vector<1xi32>
        %get3A_484 = arith.index_cast %squeeze3A_483 : i32 to index
        %get3A_485 = arith.constant 0 : index
        %get3A_486 = tpu.vector_load %arg12[%get3A_484, %get3A_485] {strides = array<i32>} : memref<512x16xf32, #tpu.memory_space<vmem>>, vector<1x16xf32>,
        %get3A_487 = vector.shape_cast %get3A_486 : vector<1x16xf32> to vector<16xf32>
        %swap3A_488 = arith.index_cast %add3A_456 : i32 to index
        %swap3A_489 = arith.constant 64 : index
        %swap3A_490 = tpu.vector_load %arg14[%swap3A_488, %swap3A_489] {strides = array<i32>} : memref<512x128xf32, #tpu.memory_space<vmem>>, vector<1x16xf32>,
        %swap3A_491 = vector.shape_cast %swap3A_490 : vector<1x16xf32> to vector<16xf32>
        %swap3A_492 = vector.shape_cast %get3A_487 : vector<16xf32> to vector<1x16xf32>
        tpu.vector_store %arg14[%swap3A_488, %swap3A_489], %swap3A_492 {strides = array<i32>} : memref<512x128xf32, #tpu.memory_space<vmem>>, vector<1x16xf32>,
        %slice3A_493 = vector.extract_strided_slice %get3A_214 {offsets = [5], sizes = [1], strides = [1]} : vector<16xi32> to vector<1xi32>
        %squeeze3A_494 = vector.extract %slice3A_493[0] : i32 from vector<1xi32>
        %get3A_495 = arith.index_cast %squeeze3A_494 : i32 to index
        %get3A_496 = arith.constant 0 : index
        %get3A_497 = tpu.vector_load %arg13[%get3A_495, %get3A_496] {strides = array<i32>} : memref<512x16xf32, #tpu.memory_space<vmem>>, vector<1x16xf32>,
        %get3A_498 = vector.shape_cast %get3A_497 : vector<1x16xf32> to vector<16xf32>
        %swap3A_499 = arith.index_cast %add3A_456 : i32 to index
        %swap3A_500 = arith.constant 80 : index
        %swap3A_501 = tpu.vector_load %arg14[%swap3A_499, %swap3A_500] {strides = array<i32>} : memref<512x128xf32, #tpu.memory_space<vmem>>, vector<1x16xf32>,
        %swap3A_502 = vector.shape_cast %swap3A_501 : vector<1x16xf32> to vector<16xf32>
        %swap3A_503 = vector.shape_cast %get3A_498 : vector<16xf32> to vector<1x16xf32>
        tpu.vector_store %arg14[%swap3A_499, %swap3A_500], %swap3A_503 {strides = array<i32>} : memref<512x128xf32, #tpu.memory_space<vmem>>, vector<1x16xf32>,
        %add3A_504 = arith.constant 6 : i32
        %add3A_505 = arith.addi %add3A_206, %add3A_504 : i32
        %slice3A_506 = vector.extract_strided_slice %get3A_208 {offsets = [6], sizes = [1], strides = [1]} : vector<16xi32> to vector<1xi32>
        %squeeze3A_507 = vector.extract %slice3A_506[0] : i32 from vector<1xi32>
        %shift_right_arithmetic3A_508 = arith.constant 13 : i32
        %shift_right_arithmetic3A_509 = arith.shrsi %squeeze3A_507, %shift_right_arithmetic3A_508 : i32
        %shift_left3A_510 = arith.constant 12 : i32
        %shift_left3A_511 = arith.shli %shift_right_arithmetic3A_509, %shift_left3A_510 : i32
        %and3A_512 = arith.constant 4095 : i32
        %and3A_513 = arith.andi %squeeze3A_507, %and3A_512 : i32
        %add3A_514 = arith.addi %shift_left3A_511, %and3A_513 : i32
        %shift_right_arithmetic3A_515 = arith.constant 12 : i32
        %shift_right_arithmetic3A_516 = arith.shrsi %squeeze3A_507, %shift_right_arithmetic3A_515 : i32
        %and3A_517 = arith.constant 1 : i32
        %and3A_518 = arith.andi %shift_right_arithmetic3A_516, %and3A_517 : i32
        %mul3A_519 = arith.constant 64 : i32
        %mul3A_520 = arith.muli %and3A_518, %mul3A_519 : i32
        %dma_start3A_521 = arith.constant 0 : i32
        %dma_start3A_522 = tpu.memref_slice %arg14[%add3A_505, %dma_start3A_521] : memref<512x128xf32, #tpu.memory_space<vmem>> -> memref<1x64xf32, #tpu.memory_space<vmem>>
        %dma_start3A_523 = tpu.memref_squeeze %dma_start3A_522 : memref<1x64xf32, #tpu.memory_space<vmem>> -> memref<64xf32, #tpu.memory_space<vmem>>
        %dma_start3A_524 = tpu.memref_slice %arg5[%add3A_514, %mul3A_520] : memref<503808x128xf32, #tpu.memory_space<hbm>> -> memref<1x64xf32, #tpu.memory_space<hbm>>
        %dma_start3A_525 = tpu.memref_squeeze %dma_start3A_524 : memref<1x64xf32, #tpu.memory_space<hbm>> -> memref<64xf32, #tpu.memory_space<hbm>>
        %dma_start3A_526 = arith.constant 0 : i32
        %dma_start3A_527 = tpu.memref_slice %arg14[%add3A_505, %dma_start3A_526] : memref<512x128xf32, #tpu.memory_space<vmem>> -> memref<1x64xf32, #tpu.memory_space<vmem>>
        %dma_start3A_528 = tpu.memref_squeeze %dma_start3A_527 : memref<1x64xf32, #tpu.memory_space<vmem>> -> memref<64xf32, #tpu.memory_space<vmem>>
        %dma_start3A_529 = tpu.memref_slice %arg5[%add3A_514, %mul3A_520] : memref<503808x128xf32, #tpu.memory_space<hbm>> -> memref<1x64xf32, #tpu.memory_space<hbm>>
        %dma_start3A_530 = tpu.memref_squeeze %dma_start3A_529 : memref<1x64xf32, #tpu.memory_space<hbm>> -> memref<64xf32, #tpu.memory_space<hbm>>
        tpu.enqueue_dma source(%dma_start3A_530 : memref<64xf32, #tpu.memory_space<hbm>>) target(%dma_start3A_528 : memref<64xf32, #tpu.memory_space<vmem>>) target_semaphore(%arg15 : memref<!tpu.dma_semaphore, #tpu.memory_space<semaphore_mem>>)
        %slice3A_531 = vector.extract_strided_slice %get3A_211 {offsets = [6], sizes = [1], strides = [1]} : vector<16xi32> to vector<1xi32>
        %squeeze3A_532 = vector.extract %slice3A_531[0] : i32 from vector<1xi32>
        %get3A_533 = arith.index_cast %squeeze3A_532 : i32 to index
        %get3A_534 = arith.constant 0 : index
        %get3A_535 = tpu.vector_load %arg12[%get3A_533, %get3A_534] {strides = array<i32>} : memref<512x16xf32, #tpu.memory_space<vmem>>, vector<1x16xf32>,
        %get3A_536 = vector.shape_cast %get3A_535 : vector<1x16xf32> to vector<16xf32>
        %swap3A_537 = arith.index_cast %add3A_505 : i32 to index
        %swap3A_538 = arith.constant 64 : index
        %swap3A_539 = tpu.vector_load %arg14[%swap3A_537, %swap3A_538] {strides = array<i32>} : memref<512x128xf32, #tpu.memory_space<vmem>>, vector<1x16xf32>,
        %swap3A_540 = vector.shape_cast %swap3A_539 : vector<1x16xf32> to vector<16xf32>
        %swap3A_541 = vector.shape_cast %get3A_536 : vector<16xf32> to vector<1x16xf32>
        tpu.vector_store %arg14[%swap3A_537, %swap3A_538], %swap3A_541 {strides = array<i32>} : memref<512x128xf32, #tpu.memory_space<vmem>>, vector<1x16xf32>,
        %slice3A_542 = vector.extract_strided_slice %get3A_214 {offsets = [6], sizes = [1], strides = [1]} : vector<16xi32> to vector<1xi32>
        %squeeze3A_543 = vector.extract %slice3A_542[0] : i32 from vector<1xi32>
        %get3A_544 = arith.index_cast %squeeze3A_543 : i32 to index
        %get3A_545 = arith.constant 0 : index
        %get3A_546 = tpu.vector_load %arg13[%get3A_544, %get3A_545] {strides = array<i32>} : memref<512x16xf32, #tpu.memory_space<vmem>>, vector<1x16xf32>,
        %get3A_547 = vector.shape_cast %get3A_546 : vector<1x16xf32> to vector<16xf32>
        %swap3A_548 = arith.index_cast %add3A_505 : i32 to index
        %swap3A_549 = arith.constant 80 : index
        %swap3A_550 = tpu.vector_load %arg14[%swap3A_548, %swap3A_549] {strides = array<i32>} : memref<512x128xf32, #tpu.memory_space<vmem>>, vector<1x16xf32>,
        %swap3A_551 = vector.shape_cast %swap3A_550 : vector<1x16xf32> to vector<16xf32>
        %swap3A_552 = vector.shape_cast %get3A_547 : vector<16xf32> to vector<1x16xf32>
        tpu.vector_store %arg14[%swap3A_548, %swap3A_549], %swap3A_552 {strides = array<i32>} : memref<512x128xf32, #tpu.memory_space<vmem>>, vector<1x16xf32>,
        %add3A_553 = arith.constant 7 : i32
        %add3A_554 = arith.addi %add3A_206, %add3A_553 : i32
        %slice3A_555 = vector.extract_strided_slice %get3A_208 {offsets = [7], sizes = [1], strides = [1]} : vector<16xi32> to vector<1xi32>
        %squeeze3A_556 = vector.extract %slice3A_555[0] : i32 from vector<1xi32>
        %shift_right_arithmetic3A_557 = arith.constant 13 : i32
        %shift_right_arithmetic3A_558 = arith.shrsi %squeeze3A_556, %shift_right_arithmetic3A_557 : i32
        %shift_left3A_559 = arith.constant 12 : i32
        %shift_left3A_560 = arith.shli %shift_right_arithmetic3A_558, %shift_left3A_559 : i32
        %and3A_561 = arith.constant 4095 : i32
        %and3A_562 = arith.andi %squeeze3A_556, %and3A_561 : i32
        %add3A_563 = arith.addi %shift_left3A_560, %and3A_562 : i32
        %shift_right_arithmetic3A_564 = arith.constant 12 : i32
        %shift_right_arithmetic3A_565 = arith.shrsi %squeeze3A_556, %shift_right_arithmetic3A_564 : i32
        %and3A_566 = arith.constant 1 : i32
        %and3A_567 = arith.andi %shift_right_arithmetic3A_565, %and3A_566 : i32
        %mul3A_568 = arith.constant 64 : i32
        %mul3A_569 = arith.muli %and3A_567, %mul3A_568 : i32
        %dma_start3A_570 = arith.constant 0 : i32
        %dma_start3A_571 = tpu.memref_slice %arg14[%add3A_554, %dma_start3A_570] : memref<512x128xf32, #tpu.memory_space<vmem>> -> memref<1x64xf32, #tpu.memory_space<vmem>>
        %dma_start3A_572 = tpu.memref_squeeze %dma_start3A_571 : memref<1x64xf32, #tpu.memory_space<vmem>> -> memref<64xf32, #tpu.memory_space<vmem>>
        %dma_start3A_573 = tpu.memref_slice %arg5[%add3A_563, %mul3A_569] : memref<503808x128xf32, #tpu.memory_space<hbm>> -> memref<1x64xf32, #tpu.memory_space<hbm>>
        %dma_start3A_574 = tpu.memref_squeeze %dma_start3A_573 : memref<1x64xf32, #tpu.memory_space<hbm>> -> memref<64xf32, #tpu.memory_space<hbm>>
        %dma_start3A_575 = arith.constant 0 : i32
        %dma_start3A_576 = tpu.memref_slice %arg14[%add3A_554, %dma_start3A_575] : memref<512x128xf32, #tpu.memory_space<vmem>> -> memref<1x64xf32, #tpu.memory_space<vmem>>
        %dma_start3A_577 = tpu.memref_squeeze %dma_start3A_576 : memref<1x64xf32, #tpu.memory_space<vmem>> -> memref<64xf32, #tpu.memory_space<vmem>>
        %dma_start3A_578 = tpu.memref_slice %arg5[%add3A_563, %mul3A_569] : memref<503808x128xf32, #tpu.memory_space<hbm>> -> memref<1x64xf32, #tpu.memory_space<hbm>>
        %dma_start3A_579 = tpu.memref_squeeze %dma_start3A_578 : memref<1x64xf32, #tpu.memory_space<hbm>> -> memref<64xf32, #tpu.memory_space<hbm>>
        tpu.enqueue_dma source(%dma_start3A_579 : memref<64xf32, #tpu.memory_space<hbm>>) target(%dma_start3A_577 : memref<64xf32, #tpu.memory_space<vmem>>) target_semaphore(%arg15 : memref<!tpu.dma_semaphore, #tpu.memory_space<semaphore_mem>>)
        %slice3A_580 = vector.extract_strided_slice %get3A_211 {offsets = [7], sizes = [1], strides = [1]} : vector<16xi32> to vector<1xi32>
        %squeeze3A_581 = vector.extract %slice3A_580[0] : i32 from vector<1xi32>
        %get3A_582 = arith.index_cast %squeeze3A_581 : i32 to index
        %get3A_583 = arith.constant 0 : index
        %get3A_584 = tpu.vector_load %arg12[%get3A_582, %get3A_583] {strides = array<i32>} : memref<512x16xf32, #tpu.memory_space<vmem>>, vector<1x16xf32>,
        %get3A_585 = vector.shape_cast %get3A_584 : vector<1x16xf32> to vector<16xf32>
        %swap3A_586 = arith.index_cast %add3A_554 : i32 to index
        %swap3A_587 = arith.constant 64 : index
        %swap3A_588 = tpu.vector_load %arg14[%swap3A_586, %swap3A_587] {strides = array<i32>} : memref<512x128xf32, #tpu.memory_space<vmem>>, vector<1x16xf32>,
        %swap3A_589 = vector.shape_cast %swap3A_588 : vector<1x16xf32> to vector<16xf32>
        %swap3A_590 = vector.shape_cast %get3A_585 : vector<16xf32> to vector<1x16xf32>
        tpu.vector_store %arg14[%swap3A_586, %swap3A_587], %swap3A_590 {strides = array<i32>} : memref<512x128xf32, #tpu.memory_space<vmem>>, vector<1x16xf32>,
        %slice3A_591 = vector.extract_strided_slice %get3A_214 {offsets = [7], sizes = [1], strides = [1]} : vector<16xi32> to vector<1xi32>
        %squeeze3A_592 = vector.extract %slice3A_591[0] : i32 from vector<1xi32>
        %get3A_593 = arith.index_cast %squeeze3A_592 : i32 to index
        %get3A_594 = arith.constant 0 : index
        %get3A_595 = tpu.vector_load %arg13[%get3A_593, %get3A_594] {strides = array<i32>} : memref<512x16xf32, #tpu.memory_space<vmem>>, vector<1x16xf32>,
        %get3A_596 = vector.shape_cast %get3A_595 : vector<1x16xf32> to vector<16xf32>
        %swap3A_597 = arith.index_cast %add3A_554 : i32 to index
        %swap3A_598 = arith.constant 80 : index
        %swap3A_599 = tpu.vector_load %arg14[%swap3A_597, %swap3A_598] {strides = array<i32>} : memref<512x128xf32, #tpu.memory_space<vmem>>, vector<1x16xf32>,
        %swap3A_600 = vector.shape_cast %swap3A_599 : vector<1x16xf32> to vector<16xf32>
        %swap3A_601 = vector.shape_cast %get3A_596 : vector<16xf32> to vector<1x16xf32>
        tpu.vector_store %arg14[%swap3A_597, %swap3A_598], %swap3A_601 {strides = array<i32>} : memref<512x128xf32, #tpu.memory_space<vmem>>, vector<1x16xf32>,
        %add3A_602 = arith.constant 8 : i32
        %add3A_603 = arith.addi %add3A_206, %add3A_602 : i32
        %slice3A_604 = vector.extract_strided_slice %get3A_208 {offsets = [8], sizes = [1], strides = [1]} : vector<16xi32> to vector<1xi32>
        %squeeze3A_605 = vector.extract %slice3A_604[0] : i32 from vector<1xi32>
        %shift_right_arithmetic3A_606 = arith.constant 13 : i32
        %shift_right_arithmetic3A_607 = arith.shrsi %squeeze3A_605, %shift_right_arithmetic3A_606 : i32
        %shift_left3A_608 = arith.constant 12 : i32
        %shift_left3A_609 = arith.shli %shift_right_arithmetic3A_607, %shift_left3A_608 : i32
        %and3A_610 = arith.constant 4095 : i32
        %and3A_611 = arith.andi %squeeze3A_605, %and3A_610 : i32
        %add3A_612 = arith.addi %shift_left3A_609, %and3A_611 : i32
        %shift_right_arithmetic3A_613 = arith.constant 12 : i32
        %shift_right_arithmetic3A_614 = arith.shrsi %squeeze3A_605, %shift_right_arithmetic3A_613 : i32
        %and3A_615 = arith.constant 1 : i32
        %and3A_616 = arith.andi %shift_right_arithmetic3A_614, %and3A_615 : i32
        %mul3A_617 = arith.constant 64 : i32
        %mul3A_618 = arith.muli %and3A_616, %mul3A_617 : i32
        %dma_start3A_619 = arith.constant 0 : i32
        %dma_start3A_620 = tpu.memref_slice %arg14[%add3A_603, %dma_start3A_619] : memref<512x128xf32, #tpu.memory_space<vmem>> -> memref<1x64xf32, #tpu.memory_space<vmem>>
        %dma_start3A_621 = tpu.memref_squeeze %dma_start3A_620 : memref<1x64xf32, #tpu.memory_space<vmem>> -> memref<64xf32, #tpu.memory_space<vmem>>
        %dma_start3A_622 = tpu.memref_slice %arg5[%add3A_612, %mul3A_618] : memref<503808x128xf32, #tpu.memory_space<hbm>> -> memref<1x64xf32, #tpu.memory_space<hbm>>
        %dma_start3A_623 = tpu.memref_squeeze %dma_start3A_622 : memref<1x64xf32, #tpu.memory_space<hbm>> -> memref<64xf32, #tpu.memory_space<hbm>>
        %dma_start3A_624 = arith.constant 0 : i32
        %dma_start3A_625 = tpu.memref_slice %arg14[%add3A_603, %dma_start3A_624] : memref<512x128xf32, #tpu.memory_space<vmem>> -> memref<1x64xf32, #tpu.memory_space<vmem>>
        %dma_start3A_626 = tpu.memref_squeeze %dma_start3A_625 : memref<1x64xf32, #tpu.memory_space<vmem>> -> memref<64xf32, #tpu.memory_space<vmem>>
        %dma_start3A_627 = tpu.memref_slice %arg5[%add3A_612, %mul3A_618] : memref<503808x128xf32, #tpu.memory_space<hbm>> -> memref<1x64xf32, #tpu.memory_space<hbm>>
        %dma_start3A_628 = tpu.memref_squeeze %dma_start3A_627 : memref<1x64xf32, #tpu.memory_space<hbm>> -> memref<64xf32, #tpu.memory_space<hbm>>
        tpu.enqueue_dma source(%dma_start3A_628 : memref<64xf32, #tpu.memory_space<hbm>>) target(%dma_start3A_626 : memref<64xf32, #tpu.memory_space<vmem>>) target_semaphore(%arg15 : memref<!tpu.dma_semaphore, #tpu.memory_space<semaphore_mem>>)
        %slice3A_629 = vector.extract_strided_slice %get3A_211 {offsets = [8], sizes = [1], strides = [1]} : vector<16xi32> to vector<1xi32>
        %squeeze3A_630 = vector.extract %slice3A_629[0] : i32 from vector<1xi32>
        %get3A_631 = arith.index_cast %squeeze3A_630 : i32 to index
        %get3A_632 = arith.constant 0 : index
        %get3A_633 = tpu.vector_load %arg12[%get3A_631, %get3A_632] {strides = array<i32>} : memref<512x16xf32, #tpu.memory_space<vmem>>, vector<1x16xf32>,
        %get3A_634 = vector.shape_cast %get3A_633 : vector<1x16xf32> to vector<16xf32>
        %swap3A_635 = arith.index_cast %add3A_603 : i32 to index
        %swap3A_636 = arith.constant 64 : index
        %swap3A_637 = tpu.vector_load %arg14[%swap3A_635, %swap3A_636] {strides = array<i32>} : memref<512x128xf32, #tpu.memory_space<vmem>>, vector<1x16xf32>,
        %swap3A_638 = vector.shape_cast %swap3A_637 : vector<1x16xf32> to vector<16xf32>
        %swap3A_639 = vector.shape_cast %get3A_634 : vector<16xf32> to vector<1x16xf32>
        tpu.vector_store %arg14[%swap3A_635, %swap3A_636], %swap3A_639 {strides = array<i32>} : memref<512x128xf32, #tpu.memory_space<vmem>>, vector<1x16xf32>,
        %slice3A_640 = vector.extract_strided_slice %get3A_214 {offsets = [8], sizes = [1], strides = [1]} : vector<16xi32> to vector<1xi32>
        %squeeze3A_641 = vector.extract %slice3A_640[0] : i32 from vector<1xi32>
        %get3A_642 = arith.index_cast %squeeze3A_641 : i32 to index
        %get3A_643 = arith.constant 0 : index
        %get3A_644 = tpu.vector_load %arg13[%get3A_642, %get3A_643] {strides = array<i32>} : memref<512x16xf32, #tpu.memory_space<vmem>>, vector<1x16xf32>,
        %get3A_645 = vector.shape_cast %get3A_644 : vector<1x16xf32> to vector<16xf32>
        %swap3A_646 = arith.index_cast %add3A_603 : i32 to index
        %swap3A_647 = arith.constant 80 : index
        %swap3A_648 = tpu.vector_load %arg14[%swap3A_646, %swap3A_647] {strides = array<i32>} : memref<512x128xf32, #tpu.memory_space<vmem>>, vector<1x16xf32>,
        %swap3A_649 = vector.shape_cast %swap3A_648 : vector<1x16xf32> to vector<16xf32>
        %swap3A_650 = vector.shape_cast %get3A_645 : vector<16xf32> to vector<1x16xf32>
        tpu.vector_store %arg14[%swap3A_646, %swap3A_647], %swap3A_650 {strides = array<i32>} : memref<512x128xf32, #tpu.memory_space<vmem>>, vector<1x16xf32>,
        %add3A_651 = arith.constant 9 : i32
        %add3A_652 = arith.addi %add3A_206, %add3A_651 : i32
        %slice3A_653 = vector.extract_strided_slice %get3A_208 {offsets = [9], sizes = [1], strides = [1]} : vector<16xi32> to vector<1xi32>
        %squeeze3A_654 = vector.extract %slice3A_653[0] : i32 from vector<1xi32>
        %shift_right_arithmetic3A_655 = arith.constant 13 : i32
        %shift_right_arithmetic3A_656 = arith.shrsi %squeeze3A_654, %shift_right_arithmetic3A_655 : i32
        %shift_left3A_657 = arith.constant 12 : i32
        %shift_left3A_658 = arith.shli %shift_right_arithmetic3A_656, %shift_left3A_657 : i32
        %and3A_659 = arith.constant 4095 : i32
        %and3A_660 = arith.andi %squeeze3A_654, %and3A_659 : i32
        %add3A_661 = arith.addi %shift_left3A_658, %and3A_660 : i32
        %shift_right_arithmetic3A_662 = arith.constant 12 : i32
        %shift_right_arithmetic3A_663 = arith.shrsi %squeeze3A_654, %shift_right_arithmetic3A_662 : i32
        %and3A_664 = arith.constant 1 : i32
        %and3A_665 = arith.andi %shift_right_arithmetic3A_663, %and3A_664 : i32
        %mul3A_666 = arith.constant 64 : i32
        %mul3A_667 = arith.muli %and3A_665, %mul3A_666 : i32
        %dma_start3A_668 = arith.constant 0 : i32
        %dma_start3A_669 = tpu.memref_slice %arg14[%add3A_652, %dma_start3A_668] : memref<512x128xf32, #tpu.memory_space<vmem>> -> memref<1x64xf32, #tpu.memory_space<vmem>>
        %dma_start3A_670 = tpu.memref_squeeze %dma_start3A_669 : memref<1x64xf32, #tpu.memory_space<vmem>> -> memref<64xf32, #tpu.memory_space<vmem>>
        %dma_start3A_671 = tpu.memref_slice %arg5[%add3A_661, %mul3A_667] : memref<503808x128xf32, #tpu.memory_space<hbm>> -> memref<1x64xf32, #tpu.memory_space<hbm>>
        %dma_start3A_672 = tpu.memref_squeeze %dma_start3A_671 : memref<1x64xf32, #tpu.memory_space<hbm>> -> memref<64xf32, #tpu.memory_space<hbm>>
        %dma_start3A_673 = arith.constant 0 : i32
        %dma_start3A_674 = tpu.memref_slice %arg14[%add3A_652, %dma_start3A_673] : memref<512x128xf32, #tpu.memory_space<vmem>> -> memref<1x64xf32, #tpu.memory_space<vmem>>
        %dma_start3A_675 = tpu.memref_squeeze %dma_start3A_674 : memref<1x64xf32, #tpu.memory_space<vmem>> -> memref<64xf32, #tpu.memory_space<vmem>>
        %dma_start3A_676 = tpu.memref_slice %arg5[%add3A_661, %mul3A_667] : memref<503808x128xf32, #tpu.memory_space<hbm>> -> memref<1x64xf32, #tpu.memory_space<hbm>>
        %dma_start3A_677 = tpu.memref_squeeze %dma_start3A_676 : memref<1x64xf32, #tpu.memory_space<hbm>> -> memref<64xf32, #tpu.memory_space<hbm>>
        tpu.enqueue_dma source(%dma_start3A_677 : memref<64xf32, #tpu.memory_space<hbm>>) target(%dma_start3A_675 : memref<64xf32, #tpu.memory_space<vmem>>) target_semaphore(%arg15 : memref<!tpu.dma_semaphore, #tpu.memory_space<semaphore_mem>>)
        %slice3A_678 = vector.extract_strided_slice %get3A_211 {offsets = [9], sizes = [1], strides = [1]} : vector<16xi32> to vector<1xi32>
        %squeeze3A_679 = vector.extract %slice3A_678[0] : i32 from vector<1xi32>
        %get3A_680 = arith.index_cast %squeeze3A_679 : i32 to index
        %get3A_681 = arith.constant 0 : index
        %get3A_682 = tpu.vector_load %arg12[%get3A_680, %get3A_681] {strides = array<i32>} : memref<512x16xf32, #tpu.memory_space<vmem>>, vector<1x16xf32>,
        %get3A_683 = vector.shape_cast %get3A_682 : vector<1x16xf32> to vector<16xf32>
        %swap3A_684 = arith.index_cast %add3A_652 : i32 to index
        %swap3A_685 = arith.constant 64 : index
        %swap3A_686 = tpu.vector_load %arg14[%swap3A_684, %swap3A_685] {strides = array<i32>} : memref<512x128xf32, #tpu.memory_space<vmem>>, vector<1x16xf32>,
        %swap3A_687 = vector.shape_cast %swap3A_686 : vector<1x16xf32> to vector<16xf32>
        %swap3A_688 = vector.shape_cast %get3A_683 : vector<16xf32> to vector<1x16xf32>
        tpu.vector_store %arg14[%swap3A_684, %swap3A_685], %swap3A_688 {strides = array<i32>} : memref<512x128xf32, #tpu.memory_space<vmem>>, vector<1x16xf32>,
        %slice3A_689 = vector.extract_strided_slice %get3A_214 {offsets = [9], sizes = [1], strides = [1]} : vector<16xi32> to vector<1xi32>
        %squeeze3A_690 = vector.extract %slice3A_689[0] : i32 from vector<1xi32>
        %get3A_691 = arith.index_cast %squeeze3A_690 : i32 to index
        %get3A_692 = arith.constant 0 : index
        %get3A_693 = tpu.vector_load %arg13[%get3A_691, %get3A_692] {strides = array<i32>} : memref<512x16xf32, #tpu.memory_space<vmem>>, vector<1x16xf32>,
        %get3A_694 = vector.shape_cast %get3A_693 : vector<1x16xf32> to vector<16xf32>
        %swap3A_695 = arith.index_cast %add3A_652 : i32 to index
        %swap3A_696 = arith.constant 80 : index
        %swap3A_697 = tpu.vector_load %arg14[%swap3A_695, %swap3A_696] {strides = array<i32>} : memref<512x128xf32, #tpu.memory_space<vmem>>, vector<1x16xf32>,
        %swap3A_698 = vector.shape_cast %swap3A_697 : vector<1x16xf32> to vector<16xf32>
        %swap3A_699 = vector.shape_cast %get3A_694 : vector<16xf32> to vector<1x16xf32>
        tpu.vector_store %arg14[%swap3A_695, %swap3A_696], %swap3A_699 {strides = array<i32>} : memref<512x128xf32, #tpu.memory_space<vmem>>, vector<1x16xf32>,
        %add3A_700 = arith.constant 10 : i32
        %add3A_701 = arith.addi %add3A_206, %add3A_700 : i32
        %slice3A_702 = vector.extract_strided_slice %get3A_208 {offsets = [10], sizes = [1], strides = [1]} : vector<16xi32> to vector<1xi32>
        %squeeze3A_703 = vector.extract %slice3A_702[0] : i32 from vector<1xi32>
        %shift_right_arithmetic3A_704 = arith.constant 13 : i32
        %shift_right_arithmetic3A_705 = arith.shrsi %squeeze3A_703, %shift_right_arithmetic3A_704 : i32
        %shift_left3A_706 = arith.constant 12 : i32
        %shift_left3A_707 = arith.shli %shift_right_arithmetic3A_705, %shift_left3A_706 : i32
        %and3A_708 = arith.constant 4095 : i32
        %and3A_709 = arith.andi %squeeze3A_703, %and3A_708 : i32
        %add3A_710 = arith.addi %shift_left3A_707, %and3A_709 : i32
        %shift_right_arithmetic3A_711 = arith.constant 12 : i32
        %shift_right_arithmetic3A_712 = arith.shrsi %squeeze3A_703, %shift_right_arithmetic3A_711 : i32
        %and3A_713 = arith.constant 1 : i32
        %and3A_714 = arith.andi %shift_right_arithmetic3A_712, %and3A_713 : i32
        %mul3A_715 = arith.constant 64 : i32
        %mul3A_716 = arith.muli %and3A_714, %mul3A_715 : i32
        %dma_start3A_717 = arith.constant 0 : i32
        %dma_start3A_718 = tpu.memref_slice %arg14[%add3A_701, %dma_start3A_717] : memref<512x128xf32, #tpu.memory_space<vmem>> -> memref<1x64xf32, #tpu.memory_space<vmem>>
        %dma_start3A_719 = tpu.memref_squeeze %dma_start3A_718 : memref<1x64xf32, #tpu.memory_space<vmem>> -> memref<64xf32, #tpu.memory_space<vmem>>
        %dma_start3A_720 = tpu.memref_slice %arg5[%add3A_710, %mul3A_716] : memref<503808x128xf32, #tpu.memory_space<hbm>> -> memref<1x64xf32, #tpu.memory_space<hbm>>
        %dma_start3A_721 = tpu.memref_squeeze %dma_start3A_720 : memref<1x64xf32, #tpu.memory_space<hbm>> -> memref<64xf32, #tpu.memory_space<hbm>>
        %dma_start3A_722 = arith.constant 0 : i32
        %dma_start3A_723 = tpu.memref_slice %arg14[%add3A_701, %dma_start3A_722] : memref<512x128xf32, #tpu.memory_space<vmem>> -> memref<1x64xf32, #tpu.memory_space<vmem>>
        %dma_start3A_724 = tpu.memref_squeeze %dma_start3A_723 : memref<1x64xf32, #tpu.memory_space<vmem>> -> memref<64xf32, #tpu.memory_space<vmem>>
        %dma_start3A_725 = tpu.memref_slice %arg5[%add3A_710, %mul3A_716] : memref<503808x128xf32, #tpu.memory_space<hbm>> -> memref<1x64xf32, #tpu.memory_space<hbm>>
        %dma_start3A_726 = tpu.memref_squeeze %dma_start3A_725 : memref<1x64xf32, #tpu.memory_space<hbm>> -> memref<64xf32, #tpu.memory_space<hbm>>
        tpu.enqueue_dma source(%dma_start3A_726 : memref<64xf32, #tpu.memory_space<hbm>>) target(%dma_start3A_724 : memref<64xf32, #tpu.memory_space<vmem>>) target_semaphore(%arg15 : memref<!tpu.dma_semaphore, #tpu.memory_space<semaphore_mem>>)
        %slice3A_727 = vector.extract_strided_slice %get3A_211 {offsets = [10], sizes = [1], strides = [1]} : vector<16xi32> to vector<1xi32>
        %squeeze3A_728 = vector.extract %slice3A_727[0] : i32 from vector<1xi32>
        %get3A_729 = arith.index_cast %squeeze3A_728 : i32 to index
        %get3A_730 = arith.constant 0 : index
        %get3A_731 = tpu.vector_load %arg12[%get3A_729, %get3A_730] {strides = array<i32>} : memref<512x16xf32, #tpu.memory_space<vmem>>, vector<1x16xf32>,
        %get3A_732 = vector.shape_cast %get3A_731 : vector<1x16xf32> to vector<16xf32>
        %swap3A_733 = arith.index_cast %add3A_701 : i32 to index
        %swap3A_734 = arith.constant 64 : index
        %swap3A_735 = tpu.vector_load %arg14[%swap3A_733, %swap3A_734] {strides = array<i32>} : memref<512x128xf32, #tpu.memory_space<vmem>>, vector<1x16xf32>,
        %swap3A_736 = vector.shape_cast %swap3A_735 : vector<1x16xf32> to vector<16xf32>
        %swap3A_737 = vector.shape_cast %get3A_732 : vector<16xf32> to vector<1x16xf32>
        tpu.vector_store %arg14[%swap3A_733, %swap3A_734], %swap3A_737 {strides = array<i32>} : memref<512x128xf32, #tpu.memory_space<vmem>>, vector<1x16xf32>,
        %slice3A_738 = vector.extract_strided_slice %get3A_214 {offsets = [10], sizes = [1], strides = [1]} : vector<16xi32> to vector<1xi32>
        %squeeze3A_739 = vector.extract %slice3A_738[0] : i32 from vector<1xi32>
        %get3A_740 = arith.index_cast %squeeze3A_739 : i32 to index
        %get3A_741 = arith.constant 0 : index
        %get3A_742 = tpu.vector_load %arg13[%get3A_740, %get3A_741] {strides = array<i32>} : memref<512x16xf32, #tpu.memory_space<vmem>>, vector<1x16xf32>,
        %get3A_743 = vector.shape_cast %get3A_742 : vector<1x16xf32> to vector<16xf32>
        %swap3A_744 = arith.index_cast %add3A_701 : i32 to index
        %swap3A_745 = arith.constant 80 : index
        %swap3A_746 = tpu.vector_load %arg14[%swap3A_744, %swap3A_745] {strides = array<i32>} : memref<512x128xf32, #tpu.memory_space<vmem>>, vector<1x16xf32>,
        %swap3A_747 = vector.shape_cast %swap3A_746 : vector<1x16xf32> to vector<16xf32>
        %swap3A_748 = vector.shape_cast %get3A_743 : vector<16xf32> to vector<1x16xf32>
        tpu.vector_store %arg14[%swap3A_744, %swap3A_745], %swap3A_748 {strides = array<i32>} : memref<512x128xf32, #tpu.memory_space<vmem>>, vector<1x16xf32>,
        %add3A_749 = arith.constant 11 : i32
        %add3A_750 = arith.addi %add3A_206, %add3A_749 : i32
        %slice3A_751 = vector.extract_strided_slice %get3A_208 {offsets = [11], sizes = [1], strides = [1]} : vector<16xi32> to vector<1xi32>
        %squeeze3A_752 = vector.extract %slice3A_751[0] : i32 from vector<1xi32>
        %shift_right_arithmetic3A_753 = arith.constant 13 : i32
        %shift_right_arithmetic3A_754 = arith.shrsi %squeeze3A_752, %shift_right_arithmetic3A_753 : i32
        %shift_left3A_755 = arith.constant 12 : i32
        %shift_left3A_756 = arith.shli %shift_right_arithmetic3A_754, %shift_left3A_755 : i32
        %and3A_757 = arith.constant 4095 : i32
        %and3A_758 = arith.andi %squeeze3A_752, %and3A_757 : i32
        %add3A_759 = arith.addi %shift_left3A_756, %and3A_758 : i32
        %shift_right_arithmetic3A_760 = arith.constant 12 : i32
        %shift_right_arithmetic3A_761 = arith.shrsi %squeeze3A_752, %shift_right_arithmetic3A_760 : i32
        %and3A_762 = arith.constant 1 : i32
        %and3A_763 = arith.andi %shift_right_arithmetic3A_761, %and3A_762 : i32
        %mul3A_764 = arith.constant 64 : i32
        %mul3A_765 = arith.muli %and3A_763, %mul3A_764 : i32
        %dma_start3A_766 = arith.constant 0 : i32
        %dma_start3A_767 = tpu.memref_slice %arg14[%add3A_750, %dma_start3A_766] : memref<512x128xf32, #tpu.memory_space<vmem>> -> memref<1x64xf32, #tpu.memory_space<vmem>>
        %dma_start3A_768 = tpu.memref_squeeze %dma_start3A_767 : memref<1x64xf32, #tpu.memory_space<vmem>> -> memref<64xf32, #tpu.memory_space<vmem>>
        %dma_start3A_769 = tpu.memref_slice %arg5[%add3A_759, %mul3A_765] : memref<503808x128xf32, #tpu.memory_space<hbm>> -> memref<1x64xf32, #tpu.memory_space<hbm>>
        %dma_start3A_770 = tpu.memref_squeeze %dma_start3A_769 : memref<1x64xf32, #tpu.memory_space<hbm>> -> memref<64xf32, #tpu.memory_space<hbm>>
        %dma_start3A_771 = arith.constant 0 : i32
        %dma_start3A_772 = tpu.memref_slice %arg14[%add3A_750, %dma_start3A_771] : memref<512x128xf32, #tpu.memory_space<vmem>> -> memref<1x64xf32, #tpu.memory_space<vmem>>
        %dma_start3A_773 = tpu.memref_squeeze %dma_start3A_772 : memref<1x64xf32, #tpu.memory_space<vmem>> -> memref<64xf32, #tpu.memory_space<vmem>>
        %dma_start3A_774 = tpu.memref_slice %arg5[%add3A_759, %mul3A_765] : memref<503808x128xf32, #tpu.memory_space<hbm>> -> memref<1x64xf32, #tpu.memory_space<hbm>>
        %dma_start3A_775 = tpu.memref_squeeze %dma_start3A_774 : memref<1x64xf32, #tpu.memory_space<hbm>> -> memref<64xf32, #tpu.memory_space<hbm>>
        tpu.enqueue_dma source(%dma_start3A_775 : memref<64xf32, #tpu.memory_space<hbm>>) target(%dma_start3A_773 : memref<64xf32, #tpu.memory_space<vmem>>) target_semaphore(%arg15 : memref<!tpu.dma_semaphore, #tpu.memory_space<semaphore_mem>>)
        %slice3A_776 = vector.extract_strided_slice %get3A_211 {offsets = [11], sizes = [1], strides = [1]} : vector<16xi32> to vector<1xi32>
        %squeeze3A_777 = vector.extract %slice3A_776[0] : i32 from vector<1xi32>
        %get3A_778 = arith.index_cast %squeeze3A_777 : i32 to index
        %get3A_779 = arith.constant 0 : index
        %get3A_780 = tpu.vector_load %arg12[%get3A_778, %get3A_779] {strides = array<i32>} : memref<512x16xf32, #tpu.memory_space<vmem>>, vector<1x16xf32>,
        %get3A_781 = vector.shape_cast %get3A_780 : vector<1x16xf32> to vector<16xf32>
        %swap3A_782 = arith.index_cast %add3A_750 : i32 to index
        %swap3A_783 = arith.constant 64 : index
        %swap3A_784 = tpu.vector_load %arg14[%swap3A_782, %swap3A_783] {strides = array<i32>} : memref<512x128xf32, #tpu.memory_space<vmem>>, vector<1x16xf32>,
        %swap3A_785 = vector.shape_cast %swap3A_784 : vector<1x16xf32> to vector<16xf32>
        %swap3A_786 = vector.shape_cast %get3A_781 : vector<16xf32> to vector<1x16xf32>
        tpu.vector_store %arg14[%swap3A_782, %swap3A_783], %swap3A_786 {strides = array<i32>} : memref<512x128xf32, #tpu.memory_space<vmem>>, vector<1x16xf32>,
        %slice3A_787 = vector.extract_strided_slice %get3A_214 {offsets = [11], sizes = [1], strides = [1]} : vector<16xi32> to vector<1xi32>
        %squeeze3A_788 = vector.extract %slice3A_787[0] : i32 from vector<1xi32>
        %get3A_789 = arith.index_cast %squeeze3A_788 : i32 to index
        %get3A_790 = arith.constant 0 : index
        %get3A_791 = tpu.vector_load %arg13[%get3A_789, %get3A_790] {strides = array<i32>} : memref<512x16xf32, #tpu.memory_space<vmem>>, vector<1x16xf32>,
        %get3A_792 = vector.shape_cast %get3A_791 : vector<1x16xf32> to vector<16xf32>
        %swap3A_793 = arith.index_cast %add3A_750 : i32 to index
        %swap3A_794 = arith.constant 80 : index
        %swap3A_795 = tpu.vector_load %arg14[%swap3A_793, %swap3A_794] {strides = array<i32>} : memref<512x128xf32, #tpu.memory_space<vmem>>, vector<1x16xf32>,
        %swap3A_796 = vector.shape_cast %swap3A_795 : vector<1x16xf32> to vector<16xf32>
        %swap3A_797 = vector.shape_cast %get3A_792 : vector<16xf32> to vector<1x16xf32>
        tpu.vector_store %arg14[%swap3A_793, %swap3A_794], %swap3A_797 {strides = array<i32>} : memref<512x128xf32, #tpu.memory_space<vmem>>, vector<1x16xf32>,
        %add3A_798 = arith.constant 12 : i32
        %add3A_799 = arith.addi %add3A_206, %add3A_798 : i32
        %slice3A_800 = vector.extract_strided_slice %get3A_208 {offsets = [12], sizes = [1], strides = [1]} : vector<16xi32> to vector<1xi32>
        %squeeze3A_801 = vector.extract %slice3A_800[0] : i32 from vector<1xi32>
        %shift_right_arithmetic3A_802 = arith.constant 13 : i32
        %shift_right_arithmetic3A_803 = arith.shrsi %squeeze3A_801, %shift_right_arithmetic3A_802 : i32
        %shift_left3A_804 = arith.constant 12 : i32
        %shift_left3A_805 = arith.shli %shift_right_arithmetic3A_803, %shift_left3A_804 : i32
        %and3A_806 = arith.constant 4095 : i32
        %and3A_807 = arith.andi %squeeze3A_801, %and3A_806 : i32
        %add3A_808 = arith.addi %shift_left3A_805, %and3A_807 : i32
        %shift_right_arithmetic3A_809 = arith.constant 12 : i32
        %shift_right_arithmetic3A_810 = arith.shrsi %squeeze3A_801, %shift_right_arithmetic3A_809 : i32
        %and3A_811 = arith.constant 1 : i32
        %and3A_812 = arith.andi %shift_right_arithmetic3A_810, %and3A_811 : i32
        %mul3A_813 = arith.constant 64 : i32
        %mul3A_814 = arith.muli %and3A_812, %mul3A_813 : i32
        %dma_start3A_815 = arith.constant 0 : i32
        %dma_start3A_816 = tpu.memref_slice %arg14[%add3A_799, %dma_start3A_815] : memref<512x128xf32, #tpu.memory_space<vmem>> -> memref<1x64xf32, #tpu.memory_space<vmem>>
        %dma_start3A_817 = tpu.memref_squeeze %dma_start3A_816 : memref<1x64xf32, #tpu.memory_space<vmem>> -> memref<64xf32, #tpu.memory_space<vmem>>
        %dma_start3A_818 = tpu.memref_slice %arg5[%add3A_808, %mul3A_814] : memref<503808x128xf32, #tpu.memory_space<hbm>> -> memref<1x64xf32, #tpu.memory_space<hbm>>
        %dma_start3A_819 = tpu.memref_squeeze %dma_start3A_818 : memref<1x64xf32, #tpu.memory_space<hbm>> -> memref<64xf32, #tpu.memory_space<hbm>>
        %dma_start3A_820 = arith.constant 0 : i32
        %dma_start3A_821 = tpu.memref_slice %arg14[%add3A_799, %dma_start3A_820] : memref<512x128xf32, #tpu.memory_space<vmem>> -> memref<1x64xf32, #tpu.memory_space<vmem>>
        %dma_start3A_822 = tpu.memref_squeeze %dma_start3A_821 : memref<1x64xf32, #tpu.memory_space<vmem>> -> memref<64xf32, #tpu.memory_space<vmem>>
        %dma_start3A_823 = tpu.memref_slice %arg5[%add3A_808, %mul3A_814] : memref<503808x128xf32, #tpu.memory_space<hbm>> -> memref<1x64xf32, #tpu.memory_space<hbm>>
        %dma_start3A_824 = tpu.memref_squeeze %dma_start3A_823 : memref<1x64xf32, #tpu.memory_space<hbm>> -> memref<64xf32, #tpu.memory_space<hbm>>
        tpu.enqueue_dma source(%dma_start3A_824 : memref<64xf32, #tpu.memory_space<hbm>>) target(%dma_start3A_822 : memref<64xf32, #tpu.memory_space<vmem>>) target_semaphore(%arg15 : memref<!tpu.dma_semaphore, #tpu.memory_space<semaphore_mem>>)
        %slice3A_825 = vector.extract_strided_slice %get3A_211 {offsets = [12], sizes = [1], strides = [1]} : vector<16xi32> to vector<1xi32>
        %squeeze3A_826 = vector.extract %slice3A_825[0] : i32 from vector<1xi32>
        %get3A_827 = arith.index_cast %squeeze3A_826 : i32 to index
        %get3A_828 = arith.constant 0 : index
        %get3A_829 = tpu.vector_load %arg12[%get3A_827, %get3A_828] {strides = array<i32>} : memref<512x16xf32, #tpu.memory_space<vmem>>, vector<1x16xf32>,
        %get3A_830 = vector.shape_cast %get3A_829 : vector<1x16xf32> to vector<16xf32>
        %swap3A_831 = arith.index_cast %add3A_799 : i32 to index
        %swap3A_832 = arith.constant 64 : index
        %swap3A_833 = tpu.vector_load %arg14[%swap3A_831, %swap3A_832] {strides = array<i32>} : memref<512x128xf32, #tpu.memory_space<vmem>>, vector<1x16xf32>,
        %swap3A_834 = vector.shape_cast %swap3A_833 : vector<1x16xf32> to vector<16xf32>
        %swap3A_835 = vector.shape_cast %get3A_830 : vector<16xf32> to vector<1x16xf32>
        tpu.vector_store %arg14[%swap3A_831, %swap3A_832], %swap3A_835 {strides = array<i32>} : memref<512x128xf32, #tpu.memory_space<vmem>>, vector<1x16xf32>,
        %slice3A_836 = vector.extract_strided_slice %get3A_214 {offsets = [12], sizes = [1], strides = [1]} : vector<16xi32> to vector<1xi32>
        %squeeze3A_837 = vector.extract %slice3A_836[0] : i32 from vector<1xi32>
        %get3A_838 = arith.index_cast %squeeze3A_837 : i32 to index
        %get3A_839 = arith.constant 0 : index
        %get3A_840 = tpu.vector_load %arg13[%get3A_838, %get3A_839] {strides = array<i32>} : memref<512x16xf32, #tpu.memory_space<vmem>>, vector<1x16xf32>,
        %get3A_841 = vector.shape_cast %get3A_840 : vector<1x16xf32> to vector<16xf32>
        %swap3A_842 = arith.index_cast %add3A_799 : i32 to index
        %swap3A_843 = arith.constant 80 : index
        %swap3A_844 = tpu.vector_load %arg14[%swap3A_842, %swap3A_843] {strides = array<i32>} : memref<512x128xf32, #tpu.memory_space<vmem>>, vector<1x16xf32>,
        %swap3A_845 = vector.shape_cast %swap3A_844 : vector<1x16xf32> to vector<16xf32>
        %swap3A_846 = vector.shape_cast %get3A_841 : vector<16xf32> to vector<1x16xf32>
        tpu.vector_store %arg14[%swap3A_842, %swap3A_843], %swap3A_846 {strides = array<i32>} : memref<512x128xf32, #tpu.memory_space<vmem>>, vector<1x16xf32>,
        %add3A_847 = arith.constant 13 : i32
        %add3A_848 = arith.addi %add3A_206, %add3A_847 : i32
        %slice3A_849 = vector.extract_strided_slice %get3A_208 {offsets = [13], sizes = [1], strides = [1]} : vector<16xi32> to vector<1xi32>
        %squeeze3A_850 = vector.extract %slice3A_849[0] : i32 from vector<1xi32>
        %shift_right_arithmetic3A_851 = arith.constant 13 : i32
        %shift_right_arithmetic3A_852 = arith.shrsi %squeeze3A_850, %shift_right_arithmetic3A_851 : i32
        %shift_left3A_853 = arith.constant 12 : i32
        %shift_left3A_854 = arith.shli %shift_right_arithmetic3A_852, %shift_left3A_853 : i32
        %and3A_855 = arith.constant 4095 : i32
        %and3A_856 = arith.andi %squeeze3A_850, %and3A_855 : i32
        %add3A_857 = arith.addi %shift_left3A_854, %and3A_856 : i32
        %shift_right_arithmetic3A_858 = arith.constant 12 : i32
        %shift_right_arithmetic3A_859 = arith.shrsi %squeeze3A_850, %shift_right_arithmetic3A_858 : i32
        %and3A_860 = arith.constant 1 : i32
        %and3A_861 = arith.andi %shift_right_arithmetic3A_859, %and3A_860 : i32
        %mul3A_862 = arith.constant 64 : i32
        %mul3A_863 = arith.muli %and3A_861, %mul3A_862 : i32
        %dma_start3A_864 = arith.constant 0 : i32
        %dma_start3A_865 = tpu.memref_slice %arg14[%add3A_848, %dma_start3A_864] : memref<512x128xf32, #tpu.memory_space<vmem>> -> memref<1x64xf32, #tpu.memory_space<vmem>>
        %dma_start3A_866 = tpu.memref_squeeze %dma_start3A_865 : memref<1x64xf32, #tpu.memory_space<vmem>> -> memref<64xf32, #tpu.memory_space<vmem>>
        %dma_start3A_867 = tpu.memref_slice %arg5[%add3A_857, %mul3A_863] : memref<503808x128xf32, #tpu.memory_space<hbm>> -> memref<1x64xf32, #tpu.memory_space<hbm>>
        %dma_start3A_868 = tpu.memref_squeeze %dma_start3A_867 : memref<1x64xf32, #tpu.memory_space<hbm>> -> memref<64xf32, #tpu.memory_space<hbm>>
        %dma_start3A_869 = arith.constant 0 : i32
        %dma_start3A_870 = tpu.memref_slice %arg14[%add3A_848, %dma_start3A_869] : memref<512x128xf32, #tpu.memory_space<vmem>> -> memref<1x64xf32, #tpu.memory_space<vmem>>
        %dma_start3A_871 = tpu.memref_squeeze %dma_start3A_870 : memref<1x64xf32, #tpu.memory_space<vmem>> -> memref<64xf32, #tpu.memory_space<vmem>>
        %dma_start3A_872 = tpu.memref_slice %arg5[%add3A_857, %mul3A_863] : memref<503808x128xf32, #tpu.memory_space<hbm>> -> memref<1x64xf32, #tpu.memory_space<hbm>>
        %dma_start3A_873 = tpu.memref_squeeze %dma_start3A_872 : memref<1x64xf32, #tpu.memory_space<hbm>> -> memref<64xf32, #tpu.memory_space<hbm>>
        tpu.enqueue_dma source(%dma_start3A_873 : memref<64xf32, #tpu.memory_space<hbm>>) target(%dma_start3A_871 : memref<64xf32, #tpu.memory_space<vmem>>) target_semaphore(%arg15 : memref<!tpu.dma_semaphore, #tpu.memory_space<semaphore_mem>>)
        %slice3A_874 = vector.extract_strided_slice %get3A_211 {offsets = [13], sizes = [1], strides = [1]} : vector<16xi32> to vector<1xi32>
        %squeeze3A_875 = vector.extract %slice3A_874[0] : i32 from vector<1xi32>
        %get3A_876 = arith.index_cast %squeeze3A_875 : i32 to index
        %get3A_877 = arith.constant 0 : index
        %get3A_878 = tpu.vector_load %arg12[%get3A_876, %get3A_877] {strides = array<i32>} : memref<512x16xf32, #tpu.memory_space<vmem>>, vector<1x16xf32>,
        %get3A_879 = vector.shape_cast %get3A_878 : vector<1x16xf32> to vector<16xf32>
        %swap3A_880 = arith.index_cast %add3A_848 : i32 to index
        %swap3A_881 = arith.constant 64 : index
        %swap3A_882 = tpu.vector_load %arg14[%swap3A_880, %swap3A_881] {strides = array<i32>} : memref<512x128xf32, #tpu.memory_space<vmem>>, vector<1x16xf32>,
        %swap3A_883 = vector.shape_cast %swap3A_882 : vector<1x16xf32> to vector<16xf32>
        %swap3A_884 = vector.shape_cast %get3A_879 : vector<16xf32> to vector<1x16xf32>
        tpu.vector_store %arg14[%swap3A_880, %swap3A_881], %swap3A_884 {strides = array<i32>} : memref<512x128xf32, #tpu.memory_space<vmem>>, vector<1x16xf32>,
        %slice3A_885 = vector.extract_strided_slice %get3A_214 {offsets = [13], sizes = [1], strides = [1]} : vector<16xi32> to vector<1xi32>
        %squeeze3A_886 = vector.extract %slice3A_885[0] : i32 from vector<1xi32>
        %get3A_887 = arith.index_cast %squeeze3A_886 : i32 to index
        %get3A_888 = arith.constant 0 : index
        %get3A_889 = tpu.vector_load %arg13[%get3A_887, %get3A_888] {strides = array<i32>} : memref<512x16xf32, #tpu.memory_space<vmem>>, vector<1x16xf32>,
        %get3A_890 = vector.shape_cast %get3A_889 : vector<1x16xf32> to vector<16xf32>
        %swap3A_891 = arith.index_cast %add3A_848 : i32 to index
        %swap3A_892 = arith.constant 80 : index
        %swap3A_893 = tpu.vector_load %arg14[%swap3A_891, %swap3A_892] {strides = array<i32>} : memref<512x128xf32, #tpu.memory_space<vmem>>, vector<1x16xf32>,
        %swap3A_894 = vector.shape_cast %swap3A_893 : vector<1x16xf32> to vector<16xf32>
        %swap3A_895 = vector.shape_cast %get3A_890 : vector<16xf32> to vector<1x16xf32>
        tpu.vector_store %arg14[%swap3A_891, %swap3A_892], %swap3A_895 {strides = array<i32>} : memref<512x128xf32, #tpu.memory_space<vmem>>, vector<1x16xf32>,
        %add3A_896 = arith.constant 14 : i32
        %add3A_897 = arith.addi %add3A_206, %add3A_896 : i32
        %slice3A_898 = vector.extract_strided_slice %get3A_208 {offsets = [14], sizes = [1], strides = [1]} : vector<16xi32> to vector<1xi32>
        %squeeze3A_899 = vector.extract %slice3A_898[0] : i32 from vector<1xi32>
        %shift_right_arithmetic3A_900 = arith.constant 13 : i32
        %shift_right_arithmetic3A_901 = arith.shrsi %squeeze3A_899, %shift_right_arithmetic3A_900 : i32
        %shift_left3A_902 = arith.constant 12 : i32
        %shift_left3A_903 = arith.shli %shift_right_arithmetic3A_901, %shift_left3A_902 : i32
        %and3A_904 = arith.constant 4095 : i32
        %and3A_905 = arith.andi %squeeze3A_899, %and3A_904 : i32
        %add3A_906 = arith.addi %shift_left3A_903, %and3A_905 : i32
        %shift_right_arithmetic3A_907 = arith.constant 12 : i32
        %shift_right_arithmetic3A_908 = arith.shrsi %squeeze3A_899, %shift_right_arithmetic3A_907 : i32
        %and3A_909 = arith.constant 1 : i32
        %and3A_910 = arith.andi %shift_right_arithmetic3A_908, %and3A_909 : i32
        %mul3A_911 = arith.constant 64 : i32
        %mul3A_912 = arith.muli %and3A_910, %mul3A_911 : i32
        %dma_start3A_913 = arith.constant 0 : i32
        %dma_start3A_914 = tpu.memref_slice %arg14[%add3A_897, %dma_start3A_913] : memref<512x128xf32, #tpu.memory_space<vmem>> -> memref<1x64xf32, #tpu.memory_space<vmem>>
        %dma_start3A_915 = tpu.memref_squeeze %dma_start3A_914 : memref<1x64xf32, #tpu.memory_space<vmem>> -> memref<64xf32, #tpu.memory_space<vmem>>
        %dma_start3A_916 = tpu.memref_slice %arg5[%add3A_906, %mul3A_912] : memref<503808x128xf32, #tpu.memory_space<hbm>> -> memref<1x64xf32, #tpu.memory_space<hbm>>
        %dma_start3A_917 = tpu.memref_squeeze %dma_start3A_916 : memref<1x64xf32, #tpu.memory_space<hbm>> -> memref<64xf32, #tpu.memory_space<hbm>>
        %dma_start3A_918 = arith.constant 0 : i32
        %dma_start3A_919 = tpu.memref_slice %arg14[%add3A_897, %dma_start3A_918] : memref<512x128xf32, #tpu.memory_space<vmem>> -> memref<1x64xf32, #tpu.memory_space<vmem>>
        %dma_start3A_920 = tpu.memref_squeeze %dma_start3A_919 : memref<1x64xf32, #tpu.memory_space<vmem>> -> memref<64xf32, #tpu.memory_space<vmem>>
        %dma_start3A_921 = tpu.memref_slice %arg5[%add3A_906, %mul3A_912] : memref<503808x128xf32, #tpu.memory_space<hbm>> -> memref<1x64xf32, #tpu.memory_space<hbm>>
        %dma_start3A_922 = tpu.memref_squeeze %dma_start3A_921 : memref<1x64xf32, #tpu.memory_space<hbm>> -> memref<64xf32, #tpu.memory_space<hbm>>
        tpu.enqueue_dma source(%dma_start3A_922 : memref<64xf32, #tpu.memory_space<hbm>>) target(%dma_start3A_920 : memref<64xf32, #tpu.memory_space<vmem>>) target_semaphore(%arg15 : memref<!tpu.dma_semaphore, #tpu.memory_space<semaphore_mem>>)
        %slice3A_923 = vector.extract_strided_slice %get3A_211 {offsets = [14], sizes = [1], strides = [1]} : vector<16xi32> to vector<1xi32>
        %squeeze3A_924 = vector.extract %slice3A_923[0] : i32 from vector<1xi32>
        %get3A_925 = arith.index_cast %squeeze3A_924 : i32 to index
        %get3A_926 = arith.constant 0 : index
        %get3A_927 = tpu.vector_load %arg12[%get3A_925, %get3A_926] {strides = array<i32>} : memref<512x16xf32, #tpu.memory_space<vmem>>, vector<1x16xf32>,
        %get3A_928 = vector.shape_cast %get3A_927 : vector<1x16xf32> to vector<16xf32>
        %swap3A_929 = arith.index_cast %add3A_897 : i32 to index
        %swap3A_930 = arith.constant 64 : index
        %swap3A_931 = tpu.vector_load %arg14[%swap3A_929, %swap3A_930] {strides = array<i32>} : memref<512x128xf32, #tpu.memory_space<vmem>>, vector<1x16xf32>,
        %swap3A_932 = vector.shape_cast %swap3A_931 : vector<1x16xf32> to vector<16xf32>
        %swap3A_933 = vector.shape_cast %get3A_928 : vector<16xf32> to vector<1x16xf32>
        tpu.vector_store %arg14[%swap3A_929, %swap3A_930], %swap3A_933 {strides = array<i32>} : memref<512x128xf32, #tpu.memory_space<vmem>>, vector<1x16xf32>,
        %slice3A_934 = vector.extract_strided_slice %get3A_214 {offsets = [14], sizes = [1], strides = [1]} : vector<16xi32> to vector<1xi32>
        %squeeze3A_935 = vector.extract %slice3A_934[0] : i32 from vector<1xi32>
        %get3A_936 = arith.index_cast %squeeze3A_935 : i32 to index
        %get3A_937 = arith.constant 0 : index
        %get3A_938 = tpu.vector_load %arg13[%get3A_936, %get3A_937] {strides = array<i32>} : memref<512x16xf32, #tpu.memory_space<vmem>>, vector<1x16xf32>,
        %get3A_939 = vector.shape_cast %get3A_938 : vector<1x16xf32> to vector<16xf32>
        %swap3A_940 = arith.index_cast %add3A_897 : i32 to index
        %swap3A_941 = arith.constant 80 : index
        %swap3A_942 = tpu.vector_load %arg14[%swap3A_940, %swap3A_941] {strides = array<i32>} : memref<512x128xf32, #tpu.memory_space<vmem>>, vector<1x16xf32>,
        %swap3A_943 = vector.shape_cast %swap3A_942 : vector<1x16xf32> to vector<16xf32>
        %swap3A_944 = vector.shape_cast %get3A_939 : vector<16xf32> to vector<1x16xf32>
        tpu.vector_store %arg14[%swap3A_940, %swap3A_941], %swap3A_944 {strides = array<i32>} : memref<512x128xf32, #tpu.memory_space<vmem>>, vector<1x16xf32>,
        %add3A_945 = arith.constant 15 : i32
        %add3A_946 = arith.addi %add3A_206, %add3A_945 : i32
        %slice3A_947 = vector.extract_strided_slice %get3A_208 {offsets = [15], sizes = [1], strides = [1]} : vector<16xi32> to vector<1xi32>
        %squeeze3A_948 = vector.extract %slice3A_947[0] : i32 from vector<1xi32>
        %shift_right_arithmetic3A_949 = arith.constant 13 : i32
        %shift_right_arithmetic3A_950 = arith.shrsi %squeeze3A_948, %shift_right_arithmetic3A_949 : i32
        %shift_left3A_951 = arith.constant 12 : i32
        %shift_left3A_952 = arith.shli %shift_right_arithmetic3A_950, %shift_left3A_951 : i32
        %and3A_953 = arith.constant 4095 : i32
        %and3A_954 = arith.andi %squeeze3A_948, %and3A_953 : i32
        %add3A_955 = arith.addi %shift_left3A_952, %and3A_954 : i32
        %shift_right_arithmetic3A_956 = arith.constant 12 : i32
        %shift_right_arithmetic3A_957 = arith.shrsi %squeeze3A_948, %shift_right_arithmetic3A_956 : i32
        %and3A_958 = arith.constant 1 : i32
        %and3A_959 = arith.andi %shift_right_arithmetic3A_957, %and3A_958 : i32
        %mul3A_960 = arith.constant 64 : i32
        %mul3A_961 = arith.muli %and3A_959, %mul3A_960 : i32
        %dma_start3A_962 = arith.constant 0 : i32
        %dma_start3A_963 = tpu.memref_slice %arg14[%add3A_946, %dma_start3A_962] : memref<512x128xf32, #tpu.memory_space<vmem>> -> memref<1x64xf32, #tpu.memory_space<vmem>>
        %dma_start3A_964 = tpu.memref_squeeze %dma_start3A_963 : memref<1x64xf32, #tpu.memory_space<vmem>> -> memref<64xf32, #tpu.memory_space<vmem>>
        %dma_start3A_965 = tpu.memref_slice %arg5[%add3A_955, %mul3A_961] : memref<503808x128xf32, #tpu.memory_space<hbm>> -> memref<1x64xf32, #tpu.memory_space<hbm>>
        %dma_start3A_966 = tpu.memref_squeeze %dma_start3A_965 : memref<1x64xf32, #tpu.memory_space<hbm>> -> memref<64xf32, #tpu.memory_space<hbm>>
        %dma_start3A_967 = arith.constant 0 : i32
        %dma_start3A_968 = tpu.memref_slice %arg14[%add3A_946, %dma_start3A_967] : memref<512x128xf32, #tpu.memory_space<vmem>> -> memref<1x64xf32, #tpu.memory_space<vmem>>
        %dma_start3A_969 = tpu.memref_squeeze %dma_start3A_968 : memref<1x64xf32, #tpu.memory_space<vmem>> -> memref<64xf32, #tpu.memory_space<vmem>>
        %dma_start3A_970 = tpu.memref_slice %arg5[%add3A_955, %mul3A_961] : memref<503808x128xf32, #tpu.memory_space<hbm>> -> memref<1x64xf32, #tpu.memory_space<hbm>>
        %dma_start3A_971 = tpu.memref_squeeze %dma_start3A_970 : memref<1x64xf32, #tpu.memory_space<hbm>> -> memref<64xf32, #tpu.memory_space<hbm>>
        tpu.enqueue_dma source(%dma_start3A_971 : memref<64xf32, #tpu.memory_space<hbm>>) target(%dma_start3A_969 : memref<64xf32, #tpu.memory_space<vmem>>) target_semaphore(%arg15 : memref<!tpu.dma_semaphore, #tpu.memory_space<semaphore_mem>>)
        %slice3A_972 = vector.extract_strided_slice %get3A_211 {offsets = [15], sizes = [1], strides = [1]} : vector<16xi32> to vector<1xi32>
        %squeeze3A_973 = vector.extract %slice3A_972[0] : i32 from vector<1xi32>
        %get3A_974 = arith.index_cast %squeeze3A_973 : i32 to index
        %get3A_975 = arith.constant 0 : index
        %get3A_976 = tpu.vector_load %arg12[%get3A_974, %get3A_975] {strides = array<i32>} : memref<512x16xf32, #tpu.memory_space<vmem>>, vector<1x16xf32>,
        %get3A_977 = vector.shape_cast %get3A_976 : vector<1x16xf32> to vector<16xf32>
        %swap3A_978 = arith.index_cast %add3A_946 : i32 to index
        %swap3A_979 = arith.constant 64 : index
        %swap3A_980 = tpu.vector_load %arg14[%swap3A_978, %swap3A_979] {strides = array<i32>} : memref<512x128xf32, #tpu.memory_space<vmem>>, vector<1x16xf32>,
        %swap3A_981 = vector.shape_cast %swap3A_980 : vector<1x16xf32> to vector<16xf32>
        %swap3A_982 = vector.shape_cast %get3A_977 : vector<16xf32> to vector<1x16xf32>
        tpu.vector_store %arg14[%swap3A_978, %swap3A_979], %swap3A_982 {strides = array<i32>} : memref<512x128xf32, #tpu.memory_space<vmem>>, vector<1x16xf32>,
        %slice3A_983 = vector.extract_strided_slice %get3A_214 {offsets = [15], sizes = [1], strides = [1]} : vector<16xi32> to vector<1xi32>
        %squeeze3A_984 = vector.extract %slice3A_983[0] : i32 from vector<1xi32>
        %get3A_985 = arith.index_cast %squeeze3A_984 : i32 to index
        %get3A_986 = arith.constant 0 : index
        %get3A_987 = tpu.vector_load %arg13[%get3A_985, %get3A_986] {strides = array<i32>} : memref<512x16xf32, #tpu.memory_space<vmem>>, vector<1x16xf32>,
        %get3A_988 = vector.shape_cast %get3A_987 : vector<1x16xf32> to vector<16xf32>
        %swap3A_989 = arith.index_cast %add3A_946 : i32 to index
        %swap3A_990 = arith.constant 80 : index
        %swap3A_991 = tpu.vector_load %arg14[%swap3A_989, %swap3A_990] {strides = array<i32>} : memref<512x128xf32, #tpu.memory_space<vmem>>, vector<1x16xf32>,
        %swap3A_992 = vector.shape_cast %swap3A_991 : vector<1x16xf32> to vector<16xf32>
        %swap3A_993 = vector.shape_cast %get3A_988 : vector<16xf32> to vector<1x16xf32>
        tpu.vector_store %arg14[%swap3A_989, %swap3A_990], %swap3A_993 {strides = array<i32>} : memref<512x128xf32, #tpu.memory_space<vmem>>, vector<1x16xf32>,
      }
      %scan3A_177 = arith.constant 16 : i32
      %dma_wait3A_178 = arith.constant 0 : i32
      %dma_wait3A_179 = tpu.memref_slice %arg14[%mul3A_117, %dma_wait3A_178] : memref<512x128xf32, #tpu.memory_space<vmem>> -> memref<256x64xf32, #tpu.memory_space<vmem>>
      %dma_wait3A_180 = arith.constant 0 : i32
      %dma_wait3A_181 = arith.constant 0 : i32
      %dma_wait3A_182 = tpu.memref_slice %arg5[%dma_wait3A_180, %dma_wait3A_181] : memref<503808x128xf32, #tpu.memory_space<hbm>> -> memref<256x64xf32, #tpu.memory_space<hbm>>
      %dma_wait3A_183 = arith.constant 0 : i32
      %dma_wait3A_184 = tpu.memref_slice %arg14[%mul3A_117, %dma_wait3A_183] : memref<512x128xf32, #tpu.memory_space<vmem>> -> memref<256x64xf32, #tpu.memory_space<vmem>>
      %dma_wait3A_185 = arith.constant 0 : i32
      %dma_wait3A_186 = arith.constant 0 : i32
      %dma_wait3A_187 = tpu.memref_slice %arg5[%dma_wait3A_185, %dma_wait3A_186] : memref<503808x128xf32, #tpu.memory_space<hbm>> -> memref<256x64xf32, #tpu.memory_space<hbm>>
      tpu.wait_dma2 semaphore(%arg15 : memref<!tpu.dma_semaphore, #tpu.memory_space<semaphore_mem>>) src(%dma_wait3A_187 : memref<256x64xf32, #tpu.memory_space<hbm>>) dst(%dma_wait3A_184 : memref<256x64xf32, #tpu.memory_space<vmem>>)
      %add3A_188 = arith.constant 1 : i32
      %add3A_189 = arith.addi %scan3A_110, %add3A_188 : i32
      %lt3A_190 = arith.constant 100 : i32
      %lt3A_191 = arith.cmpi slt, %add3A_189, %lt3A_190 : i32
      %convert_element_type3A_192 = arith.extui %lt3A_191 : i1 to i32
      %cond3A_193 = arith.constant 0 : i32
      %cond3A_194 = arith.cmpi ne, %convert_element_type3A_192, %cond3A_193 : i32
      scf.if %cond3A_194 {
        %dma_wait3A_203 = arith.constant 0 : i32
        %dma_wait3A_204 = arith.constant 0 : i32
        %dma_wait3A_205 = tpu.memref_slice %arg9[%dma_wait3A_204] : memref<512xi32, #tpu.memory_space<vmem>> -> memref<256xi32, #tpu.memory_space<vmem>>
        %dma_wait3A_206 = arith.constant 0 : i32
        %dma_wait3A_207 = tpu.memref_slice %arg2[%dma_wait3A_203, %dma_wait3A_206] : memref<200x4096xi32, #tpu.memory_space<hbm>> -> memref<1x256xi32, #tpu.memory_space<hbm>>
        %dma_wait3A_208 = tpu.memref_squeeze %dma_wait3A_207 : memref<1x256xi32, #tpu.memory_space<hbm>> -> memref<256xi32, #tpu.memory_space<hbm>>
        %dma_wait3A_209 = arith.constant 0 : i32
        %dma_wait3A_210 = tpu.memref_slice %arg9[%dma_wait3A_209] : memref<512xi32, #tpu.memory_space<vmem>> -> memref<256xi32, #tpu.memory_space<vmem>>
        %dma_wait3A_211 = arith.constant 0 : i32
        %dma_wait3A_212 = tpu.memref_slice %arg2[%dma_wait3A_203, %dma_wait3A_211] : memref<200x4096xi32, #tpu.memory_space<hbm>> -> memref<1x256xi32, #tpu.memory_space<hbm>>
        %dma_wait3A_213 = tpu.memref_squeeze %dma_wait3A_212 : memref<1x256xi32, #tpu.memory_space<hbm>> -> memref<256xi32, #tpu.memory_space<hbm>>
        tpu.wait_dma2 semaphore(%arg16 : memref<!tpu.dma_semaphore, #tpu.memory_space<semaphore_mem>>) src(%dma_wait3A_213 : memref<256xi32, #tpu.memory_space<hbm>>) dst(%dma_wait3A_210 : memref<256xi32, #tpu.memory_space<vmem>>)
        %dma_wait3A_214 = arith.constant 0 : i32
        %dma_wait3A_215 = arith.constant 0 : i32
        %dma_wait3A_216 = tpu.memref_slice %arg10[%dma_wait3A_215] : memref<512xi32, #tpu.memory_space<vmem>> -> memref<256xi32, #tpu.memory_space<vmem>>
        %dma_wait3A_217 = arith.constant 0 : i32
        %dma_wait3A_218 = tpu.memref_slice %arg2[%dma_wait3A_214, %dma_wait3A_217] : memref<200x4096xi32, #tpu.memory_space<hbm>> -> memref<1x256xi32, #tpu.memory_space<hbm>>
        %dma_wait3A_219 = tpu.memref_squeeze %dma_wait3A_218 : memref<1x256xi32, #tpu.memory_space<hbm>> -> memref<256xi32, #tpu.memory_space<hbm>>
        %dma_wait3A_220 = arith.constant 0 : i32
        %dma_wait3A_221 = tpu.memref_slice %arg10[%dma_wait3A_220] : memref<512xi32, #tpu.memory_space<vmem>> -> memref<256xi32, #tpu.memory_space<vmem>>
        %dma_wait3A_222 = arith.constant 0 : i32
        %dma_wait3A_223 = tpu.memref_slice %arg2[%dma_wait3A_214, %dma_wait3A_222] : memref<200x4096xi32, #tpu.memory_space<hbm>> -> memref<1x256xi32, #tpu.memory_space<hbm>>
        %dma_wait3A_224 = tpu.memref_squeeze %dma_wait3A_223 : memref<1x256xi32, #tpu.memory_space<hbm>> -> memref<256xi32, #tpu.memory_space<hbm>>
        tpu.wait_dma2 semaphore(%arg16 : memref<!tpu.dma_semaphore, #tpu.memory_space<semaphore_mem>>) src(%dma_wait3A_224 : memref<256xi32, #tpu.memory_space<hbm>>) dst(%dma_wait3A_221 : memref<256xi32, #tpu.memory_space<vmem>>)
        %dma_wait3A_225 = arith.constant 0 : i32
        %dma_wait3A_226 = arith.constant 0 : i32
        %dma_wait3A_227 = tpu.memref_slice %arg11[%dma_wait3A_226] : memref<512xi32, #tpu.memory_space<vmem>> -> memref<256xi32, #tpu.memory_space<vmem>>
        %dma_wait3A_228 = arith.constant 0 : i32
        %dma_wait3A_229 = tpu.memref_slice %arg2[%dma_wait3A_225, %dma_wait3A_228] : memref<200x4096xi32, #tpu.memory_space<hbm>> -> memref<1x256xi32, #tpu.memory_space<hbm>>
        %dma_wait3A_230 = tpu.memref_squeeze %dma_wait3A_229 : memref<1x256xi32, #tpu.memory_space<hbm>> -> memref<256xi32, #tpu.memory_space<hbm>>
        %dma_wait3A_231 = arith.constant 0 : i32
        %dma_wait3A_232 = tpu.memref_slice %arg11[%dma_wait3A_231] : memref<512xi32, #tpu.memory_space<vmem>> -> memref<256xi32, #tpu.memory_space<vmem>>
        %dma_wait3A_233 = arith.constant 0 : i32
        %dma_wait3A_234 = tpu.memref_slice %arg2[%dma_wait3A_225, %dma_wait3A_233] : memref<200x4096xi32, #tpu.memory_space<hbm>> -> memref<1x256xi32, #tpu.memory_space<hbm>>
        %dma_wait3A_235 = tpu.memref_squeeze %dma_wait3A_234 : memref<1x256xi32, #tpu.memory_space<hbm>> -> memref<256xi32, #tpu.memory_space<hbm>>
        tpu.wait_dma2 semaphore(%arg16 : memref<!tpu.dma_semaphore, #tpu.memory_space<semaphore_mem>>) src(%dma_wait3A_235 : memref<256xi32, #tpu.memory_space<hbm>>) dst(%dma_wait3A_232 : memref<256xi32, #tpu.memory_space<vmem>>)
      } else {
      }
      %dma_start3A_195 = arith.constant 0 : i32
      %dma_start3A_196 = tpu.memref_slice %arg14[%mul3A_117, %dma_start3A_195] : memref<512x128xf32, #tpu.memory_space<vmem>> -> memref<256x128xf32, #tpu.memory_space<vmem>>
      %dma_start3A_197 = arith.constant 0 : i32
      %dma_start3A_198 = tpu.memref_slice %arg8[%add3A_162, %dma_start3A_197] : memref<819200x128xf32, #tpu.memory_space<hbm>> -> memref<256x128xf32, #tpu.memory_space<hbm>>
      %dma_start3A_199 = arith.constant 0 : i32
      %dma_start3A_200 = tpu.memref_slice %arg8[%add3A_162, %dma_start3A_199] : memref<819200x128xf32, #tpu.memory_space<hbm>> -> memref<256x128xf32, #tpu.memory_space<hbm>>
      %dma_start3A_201 = arith.constant 0 : i32
      %dma_start3A_202 = tpu.memref_slice %arg14[%mul3A_117, %dma_start3A_201] : memref<512x128xf32, #tpu.memory_space<vmem>> -> memref<256x128xf32, #tpu.memory_space<vmem>>
      tpu.enqueue_dma source(%dma_start3A_202 : memref<256x128xf32, #tpu.memory_space<vmem>>) target(%dma_start3A_200 : memref<256x128xf32, #tpu.memory_space<hbm>>) target_semaphore(%arg17 : memref<!tpu.dma_semaphore, #tpu.memory_space<semaphore_mem>>)
    }
    %scan3A_85 = arith.constant 100 : i32
    %dma_wait3A_86 = arith.constant 0 : i32
    %dma_wait3A_87 = arith.constant 0 : i32
    %dma_wait3A_88 = tpu.memref_slice %arg14[%dma_wait3A_86, %dma_wait3A_87] : memref<512x128xf32, #tpu.memory_space<vmem>> -> memref<256x128xf32, #tpu.memory_space<vmem>>
    %dma_wait3A_89 = arith.constant 0 : i32
    %dma_wait3A_90 = arith.constant 0 : i32
    %dma_wait3A_91 = tpu.memref_slice %arg8[%dma_wait3A_89, %dma_wait3A_90] : memref<819200x128xf32, #tpu.memory_space<hbm>> -> memref<256x128xf32, #tpu.memory_space<hbm>>
    %dma_wait3A_92 = arith.constant 0 : i32
    %dma_wait3A_93 = arith.constant 0 : i32
    %dma_wait3A_94 = tpu.memref_slice %arg8[%dma_wait3A_92, %dma_wait3A_93] : memref<819200x128xf32, #tpu.memory_space<hbm>> -> memref<256x128xf32, #tpu.memory_space<hbm>>
    %dma_wait3A_95 = arith.constant 0 : i32
    %dma_wait3A_96 = arith.constant 0 : i32
    %dma_wait3A_97 = tpu.memref_slice %arg14[%dma_wait3A_95, %dma_wait3A_96] : memref<512x128xf32, #tpu.memory_space<vmem>> -> memref<256x128xf32, #tpu.memory_space<vmem>>
    tpu.wait_dma2 semaphore(%arg17 : memref<!tpu.dma_semaphore, #tpu.memory_space<semaphore_mem>>) src(%dma_wait3A_97 : memref<256x128xf32, #tpu.memory_space<vmem>>) dst(%dma_wait3A_94 : memref<256x128xf32, #tpu.memory_space<hbm>>)
    %dma_wait3A_98 = arith.constant 0 : i32
    %dma_wait3A_99 = arith.constant 0 : i32
    %dma_wait3A_100 = tpu.memref_slice %arg14[%dma_wait3A_98, %dma_wait3A_99] : memref<512x128xf32, #tpu.memory_space<vmem>> -> memref<256x128xf32, #tpu.memory_space<vmem>>
    %dma_wait3A_101 = arith.constant 0 : i32
    %dma_wait3A_102 = arith.constant 0 : i32
    %dma_wait3A_103 = tpu.memref_slice %arg8[%dma_wait3A_101, %dma_wait3A_102] : memref<819200x128xf32, #tpu.memory_space<hbm>> -> memref<256x128xf32, #tpu.memory_space<hbm>>
    %dma_wait3A_104 = arith.constant 0 : i32
    %dma_wait3A_105 = arith.constant 0 : i32
    %dma_wait3A_106 = tpu.memref_slice %arg8[%dma_wait3A_104, %dma_wait3A_105] : memref<819200x128xf32, #tpu.memory_space<hbm>> -> memref<256x128xf32, #tpu.memory_space<hbm>>
    %dma_wait3A_107 = arith.constant 0 : i32
    %dma_wait3A_108 = arith.constant 0 : i32
    %dma_wait3A_109 = tpu.memref_slice %arg14[%dma_wait3A_107, %dma_wait3A_108] : memref<512x128xf32, #tpu.memory_space<vmem>> -> memref<256x128xf32, #tpu.memory_space<vmem>>
    tpu.wait_dma2 semaphore(%arg17 : memref<!tpu.dma_semaphore, #tpu.memory_space<semaphore_mem>>) src(%dma_wait3A_109 : memref<256x128xf32, #tpu.memory_space<vmem>>) dst(%dma_wait3A_106 : memref<256x128xf32, #tpu.memory_space<hbm>>)
    return
  }
}

</mosaic_0001>

<sc_bundles>
// kernel: _emb.3.cloned.1.call-start
scs
__scs_entry_jumppad:
0x0: {  	(pc) =	sbr.rel $0x88, $3  }
0x1: {  	(tag) =	ssettag $0x0;
	lr =	simm.s32 $0x1  }
0x2: {  	[smem:$0x3F9B] =	sst lr;
	_ =	strace $0xD0000000  }
0x3: {  	_ = 	snop  }
0x4: {  	_ = 	snop  }
0x5: {  	_ = 	snop  }
0x6: {  	_ = 	snop  }
0x7: {  	_ = 	snop  }
__scs_overlays_trampoline_lowered:
0x8: {  	[smem:$0x3FAA] =	sst s0  }
0x9: {  	[smem:$0x3FAB] =	sst s1  }
0xa: {  	[smem:$0x3FAC] =	sst s2  }
0xb: {  	[smem:$0x3FAD] =	sst s3  }
0xc: {  	[smem:$0x3FAE] =	sst s4  }
0xd: {  	[smem:$0x3FAF] =	sst s5  }
0xe: {  	[smem:$0x3FB0] =	sst s6  }
0xf: {  	[smem:$0x3FB1] =	sst s7  }
0x10: {  	[smem:$0x3FB2] =	sst s8  }
0x11: {  	[smem:$0x3FB3] =	sst s9;
	s0 =	simm.s32 @!p0 $0x0  }
0x12: {  	s1 =	sld [smem:$0x3F99];
	s0 =	simm.s32 @p0 $0x1  }
0x13: {  	[smem:$0x3FB4] =	sst s0;
	s0 =	simm.s32 @!p1 $0x0  }
0x14: {  	s2 =	sld [smem:$0x3F98];
	s0 =	simm.s32 @p1 $0x1  }
0x15: {  	[smem:$0x3FB5] =	sst s0;
	s0 =	simm.s32 @!p2 $0x0  }
0x16: {  	s3 =	sld [smem:$0x3FDB];
	s0 =	simm.s32 @p2 $0x1  }
0x17: {  	s4 =	simm.s32 $0x1BF5;
	[smem:$0x3FB7] =	sst s0  }
0x18: {  	s0 =	sld [smem:$0x3F9A];
	_ =	swait.ge [sflag:s4], $0x0  }
0x19: {  	s7 =	sld [smem:$0x3F9B]  }
0x1a: {  	s8 =	sadd.s32 $0xFFFFE003, lr  }
0x1b: {  	s9 =	sadd.s32 $0xFFFFFEF7, lr;
	s5 =	simm.s32 $0xFFFFFFFF;
	p2 =	slt.u32 s8, $0xFFFFF086  }
0x1c: {  	p1 =	slt.u32 s9, $0xF7A;
	s5 =	simm.s32 @!p2 $0x0  }
0x1d: {  	s5 =	simm.s32 @p1 $0x1;
	p0 =	seq.s32 s7, s2  }
0x1e: {  	s7 =	smul.u32 @!p0 $0xF7A, s2;
	p2 =	seq.s32 @!p0 s5, $0x0  }
0x1f: {  	s9 =	smul.u32 $0xF7A, s1;
	s8 =	simm.s32 @!p0 $0x1BF5;
	p2 =	por !p2, p0  }
0x20: {  	[sflag:s8] =	ssyncset.s32 @!p0 $0xFFFFF086;
	s6 =	sadd.s32 @!p0 s3, s7;
	s7 =	simm.s32 @!p0 $0x108  }
0x21: {  	s3 =	sadd.s32 s3, s9;
	s6 =	sadd.s32 @!p0 $0x88, s6;
	s7 =	simm.s32 @p2 $0x1082  }
0x22: {  	[simem:s7], [sflag:s8] =	dma.local @!p0 [hbm:s6], $0xF7A  }
0x23: {  	s9 =	sor.u32 $0xD0000000, s2;
	s6 =	simm.s32 $0x108;
	_ =	swait.ge @!p0 [sflag:s8], $0x0  }
0x24: {  	s3 =	sadd.s32 $0x88, s3;
	s6 =	simm.s32 @!p1 $0x1082;
	[sflag:s4] =	ssyncset.s32 $0xFFFFF086  }
0x25: {  	[simem:s6], [sflag:s4] =	dma.local [hbm:s3], $0xF7A  }
0x26: {  	[smem:$0x3F9B] =	sst s1;
	(tag) =	ssettag s2;
	_ =	strace s9  }
0x27: {  	s1 =	sld [smem:$0x3FAB]  }
0x28: {  	s2 =	sld [smem:$0x3FAC]  }
0x29: {  	s4 =	sld [smem:$0x3FAE]  }
0x2a: {  	p0 =	seq.s32 s5, $0x0;
	s5 =	sld [smem:$0x3FAF]  }
0x2b: {  	s6 =	sld [smem:$0x3FB0]  }
0x2c: {  	s7 =	sld [smem:$0x3FB1]  }
0x2d: {  	s3 =	simm.s32 $0x108;
	s8 =	sld [smem:$0x3FB2]  }
0x2e: {  	s3 =	simm.s32 @!p0 $0x1082;
	s9 =	sld [smem:$0x3FB3]  }
0x2f: {  	lr =	sadd.s32 s0, s3;
	s0 =	sld [smem:$0x3FAA]  }
0x30: {  	s3 =	sld [smem:$0x3FAD]  }
0x31: {  	[smem:$0x3FB6] =	sst s10  }
0x32: {  	s10 =	sld [smem:$0x3FB4];
	_ =	sdelay $0x3  }
0x33: {  	p0 =	seq.s32 s10, $0x1;
	s10 =	sld [smem:$0x3FB6];
	_ =	sdelay $0x3  }
0x34: {  	[smem:$0x3FB6] =	sst s10  }
0x35: {  	s10 =	sld [smem:$0x3FB5];
	_ =	sdelay $0x3  }
0x36: {  	p1 =	seq.s32 s10, $0x1;
	s10 =	sld [smem:$0x3FB6];
	_ =	sdelay $0x3  }
0x37: {  	[smem:$0x3FB6] =	sst s10  }
0x38: {  	s10 =	sld [smem:$0x3FB7]  }
0x39: {  	_ = 	snop;
	(pc) =	sbr.ind lr, $3  }
0x3a: {  	_ = 	snop  }
0x3b: {  	_ = 	snop  }
0x3c: {  	p2 =	seq.s32 s10, $0x1;
	s10 =	sld [smem:$0x3FB6]  }
0x3d: {  	_ =	shalt  }
0x3e: {  	_ =	shalt  }
0x3f: {  	_ =	shalt  }
0x40: {  	_ =	shalt  }
0x41: {  	_ =	shalt  }
0x42: {  	_ =	shalt  }
0x43: {  	_ =	shalt  }
0x44: {  	_ =	shalt  }
0x45: {  	_ =	shalt  }
0x46: {  	_ =	shalt  }
0x47: {  	_ =	shalt  }
0x48: {  	_ =	shalt  }
0x49: {  	_ =	shalt  }
0x4a: {  	_ =	shalt  }
0x4b: {  	_ =	shalt  }
0x4c: {  	_ =	shalt  }
0x4d: {  	_ =	shalt  }
0x4e: {  	_ =	shalt  }
0x4f: {  	_ =	shalt  }
0x50: {  	_ =	shalt  }
0x51: {  	_ =	shalt  }
0x52: {  	_ =	shalt  }
0x53: {  	_ =	shalt  }
0x54: {  	_ =	shalt  }
0x55: {  	_ =	shalt  }
0x56: {  	_ =	shalt  }
0x57: {  	_ =	shalt  }
0x58: {  	_ =	shalt  }
0x59: {  	_ =	shalt  }
0x5a: {  	_ =	shalt  }
0x5b: {  	_ =	shalt  }
0x5c: {  	_ =	shalt  }
0x5d: {  	_ =	shalt  }
0x5e: {  	_ =	shalt  }
0x5f: {  	_ =	shalt  }
0x60: {  	_ =	shalt  }
0x61: {  	_ =	shalt  }
0x62: {  	_ =	shalt  }
0x63: {  	_ =	shalt  }
0x64: {  	_ =	shalt  }
0x65: {  	_ =	shalt  }
0x66: {  	_ =	shalt  }
0x67: {  	_ =	shalt  }
0x68: {  	_ =	shalt  }
0x69: {  	_ =	shalt  }
0x6a: {  	_ =	shalt  }
0x6b: {  	_ =	shalt  }
0x6c: {  	_ =	shalt  }
0x6d: {  	_ =	shalt  }
0x6e: {  	_ =	shalt  }
0x6f: {  	_ =	shalt  }
0x70: {  	_ =	shalt  }
0x71: {  	_ =	shalt  }
0x72: {  	_ =	shalt  }
0x73: {  	_ =	shalt  }
0x74: {  	_ =	shalt  }
0x75: {  	_ =	shalt  }
0x76: {  	_ =	shalt  }
0x77: {  	_ =	shalt  }
0x78: {  	_ =	shalt  }
0x79: {  	_ =	shalt  }
0x7a: {  	_ =	shalt  }
0x7b: {  	_ =	shalt  }
0x7c: {  	_ =	shalt  }
0x7d: {  	_ =	shalt  }
0x7e: {  	_ =	shalt  }
0x7f: {  	_ =	shalt  }
0x80: {  	_ =	shalt  }
0x81: {  	_ =	shalt  }
0x82: {  	_ =	shalt  }
0x83: {  	_ =	shalt  }
0x84: {  	_ =	shalt  }
0x85: {  	_ =	shalt  }
0x86: {  	_ =	shalt  }
0x87: {  	_ =	shalt  }
.Lfunc_end0:
.L_simem_size_0:
called_computation_lowered:
.L_overlay_start_0:
0x88: {  	s2 =	sld [smem:$0x3FD9]  }
0x89: {  	s3 =	sld [smem:$0x3FFE];
	_ =	sdelay $0x1  }
0x8a: {  	s1 =	srdreg.scid  }
0x8b: {  	s0 =	sand.u32 $0x1, s1  }
0x8c: {  	s17 =	sshll.u32 s0, $0xA;
	s2 =	sadd.s32 s3, s2  }
0x8d: {  	s2 =	sadd.s32 s2, s17  }
0x8e: {  	[smem:$0x3FC2] =	sst s2  }
0x8f: {  	_ = 	snop  }
0x90: {  	s2 =	sld [smem:$0x3FC6]  }
0x91: {  	s18 =	sld [smem:$0x3FD0];
	(tm) =	ssettm $0x1  }
0x92: {  	s4 =	sld [smem:$0x3FFB];
	_ =	sdelay $0x3  }
0x93: {  	_ =	strace s4  }
0x94: {  	s4 =	sld [smem:$0x3FFC];
	_ =	sdelay $0x3  }
0x95: {  	_ =	strace s4  }
0x96: {  	s4 =	sld [smem:$0x3FFD];
	_ =	sdelay $0x3  }
0x97: {  	_ =	strace s4  }
0x98: {  	_ =	strace $0x8FFFFFFF  }
0x99: {  	s19 =	sld [smem:$0x3FDB];
	_ =	sdelay $0x1  }
0x9a: {  	s5 =	simm.s32 $_scs_section_size  }
0x9b: {  	s6 =	simm.s32 $_size__tile_overlayer_lowered;
	s7 =	simm.s32 $_tile_overlayer_lowered  }
0x9c: {  	s22 =	simm.s32 $0x1BFF;
	s21 =	sshll.u32 s7, $0x1;
	s4 =	sadd.s32 s5, s19  }
0x9d: {  	s8 =	simm.s32 $0x0;
	s20 =	sshll.u32 s6, $0x1;
	s6 =	sadd.s32 s21, s4  }
0x9e: {  	[timem:s8], [sflag:s22] =	dma.local [hbm:s6], s20  }
0x9f: {  	_ =	swait.ge [sflag:s22], s20  }
0xa0: {  	s5 =	ssub.s32 $0x0, s20;
	[sflag:s22] =	ssyncset.done $0x0  }
0xa1: {  	[sflag:s22] =	ssyncadd.s32 s5;
	_ =	sdelay $0x1  }
0xa2: {  	s23 =	simm.s32 $0x1B8B  }
0xa3: {  	_ =	swait.ge [sflag:s23], $0x1  }
0xa4: {  	[sflag:s23] =	ssyncset.done $0x0  }
0xa5: {  	s25 =	simm.s32 $0x1B8E;
	s24 =	sld [smem:$0x3FFE];
	[sflag:s23] =	ssyncadd.s32 $0xFFFFFFFF  }
0xa6: {  	s26 =	simm.s32 $execute0_lowered;
	[smem:$0x3FD2] =	sst s25  }
0xa7: {  	s6 =	sshll.u32 s26, $0x1;
	_ =	strace $0x80000046;
	[dreg:$0x1] =	wrdreg $0xFFFFFFFF  }
0xa8: {  	s28 =	simm.s32 $_size_execute0_lowered;
	s4 =	sadd.s32 s4, s6;
	[dreg:$0x0] =	wrdreg $0x0  }
0xa9: {  	s6 =	sshll.u32 s28, $0x1;
	[dreg:$0x2] =	wrdreg s4  }
0xaa: {  	[dreg:$0x3] =	wrdreg s6  }
0xab: {  	[dreg:$0x4] =	wrdreg $0xC0  }
0xac: {  	_ =	task [dreg:s8], $0x5FFFF  }
0xad: {  	[dreg:$0x1] =	wrdreg $0xFFFFFFFF  }
0xae: {  	[dreg:$0x0] =	wrdreg $0x60  }
0xaf: {  	[dreg:$0x2] =	wrdreg s24  }
0xb0: {  	[dreg:$0x3] =	wrdreg s2  }
0xb1: {  	[dreg:$0x4] =	wrdreg s18  }
0xb2: {  	[dreg:$0x5] =	wrdreg $0x9  }
0xb3: {  	_ =	task.clear_ibuf [dreg:s8], $0x6FFFF;
	_ =	strace $0x90000046  }
0xb4: {  	s29 =	simm.s32 $0x9;
	_ =	strace $0x80000048  }
0xb5: {  	_ =	swait.ge [sflag:s29], $0x1  }
0xb6: {  	[sflag:s29] =	ssyncadd.s32 $0xFFFFFFFF  }
0xb7: {  	_ =	strace $0x90000048  }
0xb8: {  	_ =	sfence  }
0xb9: {  	s30 =	sld [smem:$0x0];
	_ =	sdelay $0x2  }
0xba: {  	s31 =	sshll.u32 s1, $0xD;
	s1 =	sshrl.u32 s1, $0x2  }
0xbb: {  	s3 =	sand.u32 $0x4000, s31;
	s1 =	sadd.s32 s1, s30  }
0xbc: {  	s0 =	sor.u32 s3, s0;
	s1 =	sshll.u32 s1, $0x11  }
0xbd: {  	s0 =	sor.u32 s1, s0  }
0xbe: {  	s0 =	sadd.s32 $0x8F2B, s0  }
0xbf: {  	[sflag:s0] =	ssyncadd.remote.s32 $0x1  }
0xc0: {  	_ =	sfence.sel $0xFFFF  }
0xc1: {  	[dreg:$0x0] =	wrdreg $0xFFFFFFFF;
	(pc) =	sbr.abs _section_cstart, $3  }
0xc2: {  	[dreg:$0x1] =	wrdreg $0xFFFFFFFF  }
0xc3: {  	_ =	task.clear_ibuf [dreg:s8], $0x2FFFF;
	_ =	strace $0x9FFFFFFF  }
0xc4: {  	(tm) =	ssettm $0x7FFFFFFF  }
0xc5: {  	_ =	shalt  }
tec
execute0_lowered:
.L_overlay_start_1:
0x0: {  	(tag) =	ssettag $0x1  }
0x1: {  	s0 =	rddreg [dreg:$0x0]  }
0x2: {  	s2 =	rddreg [dreg:$0x1]  }
0x3: {  	s1 =	srdreg.scid;
	s3 =	stileid.u32  }
0x4: {  	s4 =	simm.s32 $0x0;
	s1 =	sand.u32 $0x1, s1;
	s5 =	sshll.u32 s3, $0x1  }
0x5: {  	[smem:$0x7FF] =	sst s4;
	s24 =	sadd.s32 $0x1000, s0;
	s25 =	sadd.s32 $0x1A000, s0  }
0x6: {  	s6 =	sadd.s32 $0x33000, s0;
	s7 =	sadd.s32 $0x800, s0;
	s0 =	sadd.s32 $0xC00, s0  }
0x7: {  	s8 =	sor.u32 s1, s5;
	_ =	strace $0x80000047;
	[dreg:$0x6] =	wrdreg s7  }
0x8: {  	s1 =	ssub.s32 $0x2, s1;
	[dreg:$0x7] =	wrdreg s0;
	s9 =	smul.u32 $0x6400, s8  }
0x9: {  	[dreg:$0x4] =	wrdreg s24;
	s10 =	sshll.u32 s8, $0xA;
	s26 =	sshrl.u32 s1, $0x1  }
0xa: {  	s28 =	smul.u32 $0x64, s8;
	s10 =	sand.u32 $0xC00, s10;
	s9 =	sand.u32 $0xFF000, s9  }
0xb: {  	[dreg:$0x5] =	wrdreg s25;
	s0 =	ssub.s32 s1, s26;
	s9 =	sor.u32 s10, s9  }
0xc: {  	[dreg:$0x8] =	wrdreg s28;
	s0 =	smax.u32 s0, $0x1;
	s9 =	sshrl.u32 s9, $0x3  }
0xd: {  	[dreg:$0xc] =	wrdreg s0;
	s29 =	sadd.s32 s24, s9  }
0xe: {  	s30 =	sadd.s32 s25, s9;
	[dreg:$0x9] =	wrdreg s29  }
0xf: {  	s21 =	simm.s32 $0x1;
	s31 =	sadd.s32 s6, s9;
	[dreg:$0xa] =	wrdreg s30  }
0x10: {  	s3 =	simm.s32 $0x0;
	s10 =	smov.u32 s6;
	[dreg:$0xb] =	wrdreg s31  }
.LBB2_1:
0x11: {  	[dreg:$0xd] =	wrdreg s3  }
0x12: {  	s0 =	rddreg [dreg:$0x6];
	s1 =	simm.s32 $0x600;
	s22 =	simm.s32 $0x4  }
0x13: {  	[tilespmem:s1], [sflag:$0x4] =	stream.linear.gather [hbm4b:s0+s4], $0x2000, $0x38;
	[tilespmem:$0x14600] =	vst v63  }
0x14: {  	_ =	swait.ge [sflag:s22], $0x2000  }
0x15: {  	[sflag:s22] =	ssyncset.done $0x0  }
0x16: {  	s24 =	simm.s32 $0x2600;
	s23 =	rddreg [dreg:$0x7];
	[sflag:s22] =	ssyncadd.s32 $0xFFFFE000  }
0x17: {  	[tilespmem:s24], [sflag:$0x4] =	stream.linear.gather [hbm4b:s23+s4], $0x2000, $0x38;
	[tilespmem:$0x14600] =	vst v63  }
0x18: {  	_ =	swait.ge [sflag:s22], $0x2000  }
0x19: {  	[sflag:s22] =	ssyncset.done $0x0  }
0x1a: {  	s25 =	rddreg [dreg:$0x9];
	[sflag:s22] =	ssyncadd.s32 $0xFFFFE000  }
0x1b: {  	[tilespmem:s4], [sflag:$0x2] =	stream.linear.gather [hbm4b:s25+s4], $0x100, $0x38;
	[tilespmem:$0x14600] =	vst v63  }
0x1c: {  	s28 =	simm.s32 $0x200;
	s26 =	rddreg [dreg:$0xa]  }
0x1d: {  	[tilespmem:s28], [sflag:$0x2] =	stream.linear.gather [hbm4b:s26+s4], $0x100, $0x38;
	[tilespmem:$0x14600] =	vst v63  }
0x1e: {  	s30 =	simm.s32 $0x400;
	s31 =	simm.s32 $0x2;
	s29 =	rddreg [dreg:$0xb]  }
0x1f: {  	[tilespmem:s30], [sflag:$0x2] =	stream.linear.gather [hbm4b:s29+s4], $0x100, $0x38;
	[tilespmem:$0x14600] =	vst v63  }
0x20: {  	_ =	swait.ge [sflag:s31], $0x100  }
0x21: {  	[sflag:s31] =	ssyncset.done $0x0  }
0x22: {  	[sflag:s31] =	ssyncadd.s32 $0xFFFFFF00  }
0x23: {  	_ =	swait.ge [sflag:s31], $0x100  }
0x24: {  	[sflag:s31] =	ssyncset.done $0x0  }
0x25: {  	[sflag:s31] =	ssyncadd.s32 $0xFFFFFF00  }
0x26: {  	_ =	swait.ge [sflag:s31], $0x100  }
0x27: {  	[sflag:s31] =	ssyncset.done $0x0  }
0x28: {  	p0 =	por $0x0, $0x0;
	s24 =	simm.s32 $0x0;
	[sflag:s31] =	ssyncadd.s32 $0xFFFFFF00  }
.LBB2_2:
0x29: {  	s0 =	rddreg [dreg:$0x8]  }
0x2a: {  	p1 =	seq.s32 s24, $0x63;
	s0 =	sadd.s32 s0, s24  }
0x2b: {  	s25 =	sand.u32 $0x1, s24;
	s3 =	rddreg [dreg:$0x4];
	s1 =	sshll.u32 @!p1 s0, $0x5  }
0x2c: {  	s8 =	sshll.u32 s25, $0x8;
	s12 =	simm.s32 @!p1 $0x0;
	s1 =	sadd.s32 @!p1 $0x20, s1  }
0x2d: {  	s9 =	ssub.s32 @!p1 $0x100, s8;
	s11 =	sadd.s32 @!p1 s3, s1;
	s3 =	rddreg [dreg:$0x5]  }
0x2e: {  	[tilespmem:s9], [sflag:$0x2] =	stream.linear.gather @!p1 [hbm4b:s11+s12], $0x100, $0x38;
	[tilespmem:$0x14600] =	vst v63  }
0x2f: {  	p2 =	slt.u32 @!p1 s24, $0x2;
	s9 =	ssub.s32 @!p1 $0x300, s8;
	s11 =	sadd.s32 @!p1 s3, s1  }
0x30: {  	[tilespmem:s9], [sflag:$0x2] =	stream.linear.gather @!p1 [hbm4b:s11+s12], $0x100, $0x38;
	[tilespmem:$0x14600] =	vst v63  }
0x31: {  	p2 =	por p1, !p2;
	s8 =	ssub.s32 @!p1 $0x500, s8;
	s1 =	sadd.s32 @!p1 s10, s1  }
0x32: {  	[tilespmem:s8], [sflag:$0x2] =	stream.linear.gather @!p1 [hbm4b:s1+s12], $0x100, $0x38;
	[tilespmem:$0x14600] =	vst v63  }
0x33: {  	s1 =	simm.s32 @p2 $0x3  }
0x34: {  	_ =	swait.ge @p2 [sflag:s1], $0x8000  }
0x35: {  	[sflag:s1] =	ssyncset.done @p2 $0x0  }
0x36: {  	[sflag:s1] =	ssyncadd.s32 @p2 $0xFFFF8000;
	s1 =	simm.s32 $0x1  }
0x37: {  	s1 =	simm.s32 @!p0 $0x0  }
0x38: {  	s26 =	sshll.u32 s1, $0x8  }
0x39: {  	v3 =	vld [tilespmem:s26+$0x0];
	_ =	sdelay $0x2  }
0x3a: {  	s28 =	sor.u32 $0x200, s26  }
0x3b: {  	v0 =	vld [tilespmem:s28+$0x0]  }
0x3c: {  	(v2sf) =	vpush v3, $0x0;
	_ =	sdelay $0x3  }
0x3d: {  	v0 =	vshll.u32 v0, $0x6  }
0x3e: {  	s29 =	sor.u32 $0x400, s26;
	v0 =	vshra.s32 v0, $0x2  }
0x3f: {  	v2 =	vld [tilespmem:s29+$0x0];
	(v2sf) =	vpush v3, $0x1;
	v1 =	vadd.s32 $0x600, v0  }
0x40: {  	(v2sf) =	vpush v1, $0x0;
	_ =	sdelay $0x3  }
0x41: {  	v0 =	vshll.u32 v2, $0x6  }
0x42: {  	v0 =	vshra.s32 v0, $0x2;
	(v2sf) =	vpush v3, $0x2  }
0x43: {  	v2 =	vadd.s32 $0x2600, v0;
	(v2sf) =	vpush v3, $0x3  }
0x44: {  	(v2sf) =	vpush v2, $0x0  }
0x45: {  	s20 =	spop (v2sf)  }
0x46: {  	s22 =	sshrl.u32 s20, $0x1  }
0x47: {  	s23 =	sand.u32 $0xFFF, s20;
	s9 =	sand.u32 $0x1FFF000, s22  }
0x48: {  	(v2sf) =	vpush v3, $0x4;
	s8 =	sshrl.u32 s20, $0x6;
	s9 =	sor.u32 s23, s9  }
0x49: {  	(v2sf) =	vpush v3, $0x5;
	s8 =	sand.u32 $0x40, s8;
	s9 =	sshll.u32 s9, $0x7  }
0x4a: {  	s1 =	sshll.u32 s1, $0xF;
	(v2sf) =	vpush v1, $0x1;
	s8 =	sor.u32 s8, s9  }
0x4b: {  	s30 =	sor.u32 $0x4600, s1;
	s3 =	spop (v2sf);
	s8 =	sshrl.u32 s8, $0x3  }
0x4c: {  	s1 =	sadd.s32 $0x0, s30;
	s5 =	spop (v2sf);
	s8 =	sadd.s32 s2, s8  }
0x4d: {  	[tilespmem:s1], [sflag:$0x1] =	stream.linear.gather [hbm4b:s8+s4], $0x40, $0x38;
	[tilespmem:$0x14600] =	vst v63  }
0x4e: {  	v0 =	vmov s30;
	v4 =	vld [tilespmem:s5+$0x0];
	_ =	sdelay $0x1  }
0x4f: {  	(v2sf) =	vpush v3, $0x6  }
0x50: {  	(v2sf) =	vpush v2, $0x1;
	s6 =	spop (v2sf)  }
0x51: {  	s31 =	simm.s32 $0x0;
	s12 =	spop (v2sf)  }
0x52: {  	s7 =	sshrl.u32 s3, $0x1;
	s13 =	spop (v2sf);
	[tilespmem:v0+s31+$0x40 ss:$0x1] =	vst.idx.msk $0xffff, v4  }
0x53: {  	s14 =	sand.u32 $0xFFF, s3;
	s8 =	sand.u32 $0x1FFF000, s7;
	v4 =	vld [tilespmem:s13+$0x0]  }
0x54: {  	s9 =	sshrl.u32 s3, $0x6;
	(v2sf) =	vpush v3, $0x7;
	s8 =	sor.u32 s14, s8  }
0x55: {  	s9 =	sand.u32 $0x40, s9;
	(v2sf) =	vpush v3, $0x8;
	s8 =	sshll.u32 s8, $0x7  }
0x56: {  	s9 =	sor.u32 s9, s8;
	s8 =	spop (v2sf);
	(v2sf) =	vpush v1, $0x2  }
0x57: {  	s9 =	sshrl.u32 s9, $0x3;
	s19 =	spop (v2sf)  }
0x58: {  	s15 =	sadd.s32 $0x80, s1;
	s9 =	sadd.s32 s2, s9;
	s16 =	spop (v2sf);
	[tilespmem:v0+s31+$0x50 ss:$0x1] =	vst.idx.msk $0xffff, v4  }
0x59: {  	[tilespmem:s15], [sflag:$0x1] =	stream.linear.gather [hbm4b:s9+s4], $0x40, $0x38;
	[tilespmem:$0x14600] =	vst v63  }
0x5a: {  	v4 =	vld [tilespmem:s16+$0x0];
	_ =	sdelay $0x1  }
0x5b: {  	(v2sf) =	vpush v3, $0x9  }
0x5c: {  	(v2sf) =	vpush v2, $0x2  }
0x5d: {  	s18 =	spop (v2sf)  }
0x5e: {  	s17 =	sshrl.u32 s6, $0x1;
	s20 =	spop (v2sf);
	[tilespmem:v0+s31+$0xC0 ss:$0x1] =	vst.idx.msk $0xffff, v4  }
0x5f: {  	s22 =	sand.u32 $0xFFF, s6;
	s9 =	sand.u32 $0x1FFF000, s17;
	v4 =	vld [tilespmem:s20+$0x0]  }
0x60: {  	s11 =	sshrl.u32 s6, $0x6;
	(v2sf) =	vpush v3, $0xA;
	s9 =	sor.u32 s22, s9  }
0x61: {  	s11 =	sand.u32 $0x40, s11;
	(v2sf) =	vpush v3, $0xB;
	s9 =	sshll.u32 s9, $0x7  }
0x62: {  	s17 =	spop (v2sf);
	(v2sf) =	vpush v1, $0x3;
	s9 =	sor.u32 s11, s9  }
0x63: {  	s16 =	spop (v2sf);
	s9 =	sshrl.u32 s9, $0x3  }
0x64: {  	s23 =	sadd.s32 $0x100, s1;
	s9 =	sadd.s32 s2, s9;
	s3 =	spop (v2sf);
	[tilespmem:v0+s31+$0xD0 ss:$0x1] =	vst.idx.msk $0xffff, v4  }
0x65: {  	[tilespmem:s23], [sflag:$0x1] =	stream.linear.gather [hbm4b:s9+s4], $0x40, $0x38;
	[tilespmem:$0x14600] =	vst v63  }
0x66: {  	v4 =	vld [tilespmem:s3+$0x0];
	_ =	sdelay $0x1  }
0x67: {  	(v2sf) =	vpush v3, $0xC  }
0x68: {  	(v2sf) =	vpush v2, $0x3  }
0x69: {  	s15 =	spop (v2sf)  }
0x6a: {  	s5 =	sshrl.u32 s12, $0x1;
	s6 =	spop (v2sf);
	[tilespmem:v0+s31+$0x140 ss:$0x1] =	vst.idx.msk $0xffff, v4  }
0x6b: {  	s7 =	sand.u32 $0xFFF, s12;
	s9 =	sand.u32 $0x1FFF000, s5;
	v4 =	vld [tilespmem:s6+$0x0]  }
0x6c: {  	s14 =	sshrl.u32 s12, $0x6;
	(v2sf) =	vpush v3, $0xD;
	s9 =	sor.u32 s7, s9  }
0x6d: {  	s11 =	sand.u32 $0x40, s14;
	(v2sf) =	vpush v3, $0xE;
	s9 =	sshll.u32 s9, $0x7  }
0x6e: {  	s14 =	spop (v2sf);
	(v2sf) =	vpush v1, $0x4;
	s9 =	sor.u32 s11, s9  }
0x6f: {  	s13 =	spop (v2sf);
	s9 =	sshrl.u32 s9, $0x3  }
0x70: {  	s20 =	sadd.s32 $0x180, s1;
	s22 =	spop (v2sf);
	s9 =	sadd.s32 s2, s9;
	[tilespmem:v0+s31+$0x150 ss:$0x1] =	vst.idx.msk $0xffff, v4  }
0x71: {  	[tilespmem:s20], [sflag:$0x1] =	stream.linear.gather [hbm4b:s9+s4], $0x40, $0x38;
	[tilespmem:$0x14600] =	vst v63  }
0x72: {  	v4 =	vld [tilespmem:s22+$0x0];
	_ =	sdelay $0x1  }
0x73: {  	(v2sf) =	vpush v3, $0xF  }
0x74: {  	(v2sf) =	vpush v2, $0x4  }
0x75: {  	s12 =	spop (v2sf)  }
0x76: {  	s23 =	sshrl.u32 s8, $0x1;
	s3 =	spop (v2sf);
	[tilespmem:v0+s31+$0x1C0 ss:$0x1] =	vst.idx.msk $0xffff, v4  }
0x77: {  	s9 =	sand.u32 $0x1FFF000, s23;
	s20 =	sand.u32 $0xFFF, s8;
	v3 =	vld [tilespmem:s3+$0x0]  }
0x78: {  	s8 =	sshrl.u32 s8, $0x6;
	s9 =	sor.u32 s20, s9  }
0x79: {  	s8 =	sand.u32 $0x40, s8;
	s9 =	sshll.u32 s9, $0x7  }
0x7a: {  	(v2sf) =	vpush v1, $0x5;
	s11 =	spop (v2sf);
	s8 =	sor.u32 s8, s9  }
0x7b: {  	s9 =	spop (v2sf);
	s8 =	sshrl.u32 s8, $0x3  }
0x7c: {  	s5 =	sadd.s32 $0x200, s1;
	s23 =	spop (v2sf);
	s8 =	sadd.s32 s2, s8;
	[tilespmem:v0+s31+$0x1D0 ss:$0x1] =	vst.idx.msk $0xffff, v3  }
0x7d: {  	[tilespmem:s5], [sflag:$0x1] =	stream.linear.gather [hbm4b:s8+s4], $0x40, $0x38;
	[tilespmem:$0x14600] =	vst v63  }
0x7e: {  	v3 =	vld [tilespmem:s23+$0x0];
	_ =	sdelay $0x2  }
0x7f: {  	(v2sf) =	vpush v2, $0x5  }
0x80: {  	s8 =	spop (v2sf)  }
0x81: {  	s6 =	sshrl.u32 s19, $0x1;
	s7 =	spop (v2sf);
	[tilespmem:v0+s31+$0x240 ss:$0x1] =	vst.idx.msk $0xffff, v3  }
0x82: {  	s20 =	sand.u32 $0x1FFF000, s6;
	s22 =	sand.u32 $0xFFF, s19;
	v3 =	vld [tilespmem:s7+$0x0]  }
0x83: {  	s19 =	sshrl.u32 s19, $0x6;
	s20 =	sor.u32 s22, s20  }
0x84: {  	s19 =	sand.u32 $0x40, s19;
	s20 =	sshll.u32 s20, $0x7  }
0x85: {  	s19 =	sor.u32 s19, s20;
	(v2sf) =	vpush v1, $0x6  }
0x86: {  	s19 =	sshrl.u32 s19, $0x3  }
0x87: {  	s19 =	sadd.s32 s2, s19;
	s23 =	sadd.s32 $0x280, s1;
	s3 =	spop (v2sf);
	[tilespmem:v0+s31+$0x250 ss:$0x1] =	vst.idx.msk $0xffff, v3  }
0x88: {  	[tilespmem:s23], [sflag:$0x1] =	stream.linear.gather [hbm4b:s19+s4], $0x40, $0x38;
	[tilespmem:$0x14600] =	vst v63  }
0x89: {  	v3 =	vld [tilespmem:s3+$0x0];
	_ =	sdelay $0x2  }
0x8a: {  	(v2sf) =	vpush v2, $0x6;
	_ =	sdelay $0x1  }
0x8b: {  	s5 =	sshrl.u32 s18, $0x1;
	s6 =	spop (v2sf);
	[tilespmem:v0+s31+$0x2C0 ss:$0x1] =	vst.idx.msk $0xffff, v3  }
0x8c: {  	s7 =	sand.u32 $0xFFF, s18;
	s19 =	sand.u32 $0x1FFF000, s5;
	v3 =	vld [tilespmem:s6+$0x0]  }
0x8d: {  	s18 =	sshrl.u32 s18, $0x6;
	s19 =	sor.u32 s7, s19  }
0x8e: {  	s18 =	sand.u32 $0x40, s18;
	s19 =	sshll.u32 s19, $0x7  }
0x8f: {  	(v2sf) =	vpush v1, $0x7;
	s18 =	sor.u32 s18, s19  }
0x90: {  	s18 =	sshrl.u32 s18, $0x3  }
0x91: {  	s22 =	sadd.s32 $0x300, s1;
	s23 =	spop (v2sf);
	s18 =	sadd.s32 s2, s18;
	[tilespmem:v0+s31+$0x2D0 ss:$0x1] =	vst.idx.msk $0xffff, v3  }
0x92: {  	[tilespmem:s22], [sflag:$0x1] =	stream.linear.gather [hbm4b:s18+s4], $0x40, $0x38;
	[tilespmem:$0x14600] =	vst v63  }
0x93: {  	v3 =	vld [tilespmem:s23+$0x0];
	_ =	sdelay $0x2  }
0x94: {  	(v2sf) =	vpush v2, $0x7;
	_ =	sdelay $0x1  }
0x95: {  	s3 =	sshrl.u32 s17, $0x1;
	s5 =	spop (v2sf);
	[tilespmem:v0+s31+$0x340 ss:$0x1] =	vst.idx.msk $0xffff, v3  }
0x96: {  	s6 =	sand.u32 $0xFFF, s17;
	s18 =	sand.u32 $0x1FFF000, s3;
	v3 =	vld [tilespmem:s5+$0x0]  }
0x97: {  	s17 =	sshrl.u32 s17, $0x6;
	s18 =	sor.u32 s6, s18  }
0x98: {  	s17 =	sand.u32 $0x40, s17;
	s18 =	sshll.u32 s18, $0x7  }
0x99: {  	(v2sf) =	vpush v1, $0x8;
	s17 =	sor.u32 s17, s18  }
0x9a: {  	s17 =	sshrl.u32 s17, $0x3  }
0x9b: {  	s7 =	sadd.s32 $0x380, s1;
	s18 =	spop (v2sf);
	s17 =	sadd.s32 s2, s17;
	[tilespmem:v0+s31+$0x350 ss:$0x1] =	vst.idx.msk $0xffff, v3  }
0x9c: {  	[tilespmem:s7], [sflag:$0x1] =	stream.linear.gather [hbm4b:s17+s4], $0x40, $0x38;
	[tilespmem:$0x14600] =	vst v63  }
0x9d: {  	v3 =	vld [tilespmem:s18+$0x0];
	_ =	sdelay $0x2  }
0x9e: {  	(v2sf) =	vpush v2, $0x8;
	_ =	sdelay $0x1  }
0x9f: {  	s19 =	sshrl.u32 s16, $0x1;
	s20 =	spop (v2sf);
	[tilespmem:v0+s31+$0x3C0 ss:$0x1] =	vst.idx.msk $0xffff, v3  }
0xa0: {  	s22 =	sand.u32 $0xFFF, s16;
	s17 =	sand.u32 $0x1FFF000, s19;
	v3 =	vld [tilespmem:s20+$0x0]  }
0xa1: {  	s16 =	sshrl.u32 s16, $0x6;
	s17 =	sor.u32 s22, s17  }
0xa2: {  	s16 =	sand.u32 $0x40, s16;
	s17 =	sshll.u32 s17, $0x7  }
0xa3: {  	(v2sf) =	vpush v1, $0x9;
	s16 =	sor.u32 s16, s17  }
0xa4: {  	s16 =	sshrl.u32 s16, $0x3  }
0xa5: {  	s23 =	sadd.s32 $0x400, s1;
	s3 =	spop (v2sf);
	s16 =	sadd.s32 s2, s16;
	[tilespmem:v0+s31+$0x3D0 ss:$0x1] =	vst.idx.msk $0xffff, v3  }
0xa6: {  	[tilespmem:s23], [sflag:$0x1] =	stream.linear.gather [hbm4b:s16+s4], $0x40, $0x38;
	[tilespmem:$0x14600] =	vst v63  }
0xa7: {  	v3 =	vld [tilespmem:s3+$0x0];
	_ =	sdelay $0x2  }
0xa8: {  	(v2sf) =	vpush v2, $0x9;
	_ =	sdelay $0x1  }
0xa9: {  	s5 =	sshrl.u32 s15, $0x1;
	s6 =	spop (v2sf);
	[tilespmem:v0+s31+$0x440 ss:$0x1] =	vst.idx.msk $0xffff, v3  }
0xaa: {  	s7 =	sand.u32 $0xFFF, s15;
	s16 =	sand.u32 $0x1FFF000, s5;
	v3 =	vld [tilespmem:s6+$0x0]  }
0xab: {  	s15 =	sshrl.u32 s15, $0x6;
	s16 =	sor.u32 s7, s16  }
0xac: {  	s15 =	sand.u32 $0x40, s15;
	s16 =	sshll.u32 s16, $0x7  }
0xad: {  	(v2sf) =	vpush v1, $0xA;
	s15 =	sor.u32 s15, s16  }
0xae: {  	s15 =	sshrl.u32 s15, $0x3  }
0xaf: {  	s17 =	sadd.s32 $0x480, s1;
	s18 =	spop (v2sf);
	s15 =	sadd.s32 s2, s15;
	[tilespmem:v0+s31+$0x450 ss:$0x1] =	vst.idx.msk $0xffff, v3  }
0xb0: {  	[tilespmem:s17], [sflag:$0x1] =	stream.linear.gather [hbm4b:s15+s4], $0x40, $0x38;
	[tilespmem:$0x14600] =	vst v63  }
0xb1: {  	v3 =	vld [tilespmem:s18+$0x0];
	_ =	sdelay $0x2  }
0xb2: {  	(v2sf) =	vpush v2, $0xA;
	_ =	sdelay $0x1  }
0xb3: {  	s19 =	sshrl.u32 s14, $0x1;
	s20 =	spop (v2sf);
	[tilespmem:v0+s31+$0x4C0 ss:$0x1] =	vst.idx.msk $0xffff, v3  }
0xb4: {  	s22 =	sand.u32 $0xFFF, s14;
	s15 =	sand.u32 $0x1FFF000, s19;
	v3 =	vld [tilespmem:s20+$0x0]  }
0xb5: {  	s14 =	sshrl.u32 s14, $0x6;
	s15 =	sor.u32 s22, s15  }
0xb6: {  	s14 =	sand.u32 $0x40, s14;
	s15 =	sshll.u32 s15, $0x7  }
0xb7: {  	(v2sf) =	vpush v1, $0xB;
	s14 =	sor.u32 s14, s15  }
0xb8: {  	s14 =	sshrl.u32 s14, $0x3  }
0xb9: {  	s23 =	sadd.s32 $0x500, s1;
	s3 =	spop (v2sf);
	s14 =	sadd.s32 s2, s14;
	[tilespmem:v0+s31+$0x4D0 ss:$0x1] =	vst.idx.msk $0xffff, v3  }
0xba: {  	[tilespmem:s23], [sflag:$0x1] =	stream.linear.gather [hbm4b:s14+s4], $0x40, $0x38;
	[tilespmem:$0x14600] =	vst v63  }
0xbb: {  	v3 =	vld [tilespmem:s3+$0x0];
	_ =	sdelay $0x2  }
0xbc: {  	(v2sf) =	vpush v2, $0xB;
	_ =	sdelay $0x1  }
0xbd: {  	s5 =	sshrl.u32 s13, $0x1;
	s6 =	spop (v2sf);
	[tilespmem:v0+s31+$0x540 ss:$0x1] =	vst.idx.msk $0xffff, v3  }
0xbe: {  	s7 =	sand.u32 $0xFFF, s13;
	s14 =	sand.u32 $0x1FFF000, s5;
	v3 =	vld [tilespmem:s6+$0x0]  }
0xbf: {  	s13 =	sshrl.u32 s13, $0x6;
	s14 =	sor.u32 s7, s14  }
0xc0: {  	s13 =	sand.u32 $0x40, s13;
	s14 =	sshll.u32 s14, $0x7  }
0xc1: {  	(v2sf) =	vpush v1, $0xC;
	s13 =	sor.u32 s13, s14  }
0xc2: {  	s13 =	sshrl.u32 s13, $0x3  }
0xc3: {  	s16 =	sadd.s32 $0x580, s1;
	s17 =	spop (v2sf);
	s13 =	sadd.s32 s2, s13;
	[tilespmem:v0+s31+$0x550 ss:$0x1] =	vst.idx.msk $0xffff, v3  }
0xc4: {  	[tilespmem:s16], [sflag:$0x1] =	stream.linear.gather [hbm4b:s13+s4], $0x40, $0x38;
	[tilespmem:$0x14600] =	vst v63  }
0xc5: {  	v3 =	vld [tilespmem:s17+$0x0];
	_ =	sdelay $0x2  }
0xc6: {  	(v2sf) =	vpush v2, $0xC;
	_ =	sdelay $0x1  }
0xc7: {  	s18 =	sshrl.u32 s12, $0x1;
	s19 =	spop (v2sf);
	[tilespmem:v0+s31+$0x5C0 ss:$0x1] =	vst.idx.msk $0xffff, v3  }
0xc8: {  	s20 =	sand.u32 $0xFFF, s12;
	s13 =	sand.u32 $0x1FFF000, s18;
	v3 =	vld [tilespmem:s19+$0x0]  }
0xc9: {  	s12 =	sshrl.u32 s12, $0x6;
	s13 =	sor.u32 s20, s13  }
0xca: {  	s12 =	sand.u32 $0x40, s12;
	s13 =	sshll.u32 s13, $0x7  }
0xcb: {  	(v2sf) =	vpush v1, $0xD;
	s12 =	sor.u32 s12, s13  }
0xcc: {  	s12 =	sshrl.u32 s12, $0x3  }
0xcd: {  	s22 =	sadd.s32 $0x600, s1;
	s23 =	spop (v2sf);
	s12 =	sadd.s32 s2, s12;
	[tilespmem:v0+s31+$0x5D0 ss:$0x1] =	vst.idx.msk $0xffff, v3  }
0xce: {  	[tilespmem:s22], [sflag:$0x1] =	stream.linear.gather [hbm4b:s12+s4], $0x40, $0x38;
	[tilespmem:$0x14600] =	vst v63  }
0xcf: {  	v3 =	vld [tilespmem:s23+$0x0];
	_ =	sdelay $0x2  }
0xd0: {  	(v2sf) =	vpush v2, $0xD;
	_ =	sdelay $0x1  }
0xd1: {  	s3 =	sshrl.u32 s11, $0x1;
	s5 =	spop (v2sf);
	[tilespmem:v0+s31+$0x640 ss:$0x1] =	vst.idx.msk $0xffff, v3  }
0xd2: {  	s6 =	sand.u32 $0xFFF, s11;
	s12 =	sand.u32 $0x1FFF000, s3;
	v3 =	vld [tilespmem:s5+$0x0]  }
0xd3: {  	s11 =	sshrl.u32 s11, $0x6;
	s12 =	sor.u32 s6, s12  }
0xd4: {  	s11 =	sand.u32 $0x40, s11;
	s12 =	sshll.u32 s12, $0x7  }
0xd5: {  	(v2sf) =	vpush v1, $0xE;
	s11 =	sor.u32 s11, s12  }
0xd6: {  	s11 =	sshrl.u32 s11, $0x3  }
0xd7: {  	s7 =	sadd.s32 $0x680, s1;
	s12 =	spop (v2sf);
	s11 =	sadd.s32 s2, s11;
	[tilespmem:v0+s31+$0x650 ss:$0x1] =	vst.idx.msk $0xffff, v3  }
0xd8: {  	[tilespmem:s7], [sflag:$0x1] =	stream.linear.gather [hbm4b:s11+s4], $0x40, $0x38;
	[tilespmem:$0x14600] =	vst v63  }
0xd9: {  	v3 =	vld [tilespmem:s12+$0x0];
	_ =	sdelay $0x2  }
0xda: {  	(v2sf) =	vpush v2, $0xE;
	_ =	sdelay $0x1  }
0xdb: {  	s13 =	sshrl.u32 s9, $0x1;
	s14 =	spop (v2sf);
	[tilespmem:v0+s31+$0x6C0 ss:$0x1] =	vst.idx.msk $0xffff, v3  }
0xdc: {  	s15 =	sand.u32 $0xFFF, s9;
	s11 =	sand.u32 $0x1FFF000, s13;
	v3 =	vld [tilespmem:s14+$0x0]  }
0xdd: {  	s9 =	sshrl.u32 s9, $0x6;
	s11 =	sor.u32 s15, s11  }
0xde: {  	s9 =	sand.u32 $0x40, s9;
	s11 =	sshll.u32 s11, $0x7  }
0xdf: {  	(v2sf) =	vpush v1, $0xF;
	s9 =	sor.u32 s9, s11  }
0xe0: {  	s9 =	sshrl.u32 s9, $0x3  }
0xe1: {  	s16 =	sadd.s32 $0x700, s1;
	s17 =	spop (v2sf);
	s9 =	sadd.s32 s2, s9;
	[tilespmem:v0+s31+$0x6D0 ss:$0x1] =	vst.idx.msk $0xffff, v3  }
0xe2: {  	[tilespmem:s16], [sflag:$0x1] =	stream.linear.gather [hbm4b:s9+s4], $0x40, $0x38;
	[tilespmem:$0x14600] =	vst v63  }
0xe3: {  	v1 =	vld [tilespmem:s17+$0x0];
	_ =	sdelay $0x2  }
0xe4: {  	(v2sf) =	vpush v2, $0xF;
	_ =	sdelay $0x1  }
0xe5: {  	s18 =	sshrl.u32 s8, $0x1;
	s19 =	spop (v2sf);
	[tilespmem:v0+s31+$0x740 ss:$0x1] =	vst.idx.msk $0xffff, v1  }
0xe6: {  	s20 =	sand.u32 $0xFFF, s8;
	s9 =	sand.u32 $0x1FFF000, s18;
	v1 =	vld [tilespmem:s19+$0x0]  }
0xe7: {  	s8 =	sshrl.u32 s8, $0x6;
	s9 =	sor.u32 s20, s9  }
0xe8: {  	s8 =	sand.u32 $0x40, s8;
	s9 =	sshll.u32 s9, $0x7  }
0xe9: {  	s8 =	sor.u32 s8, s9  }
0xea: {  	s8 =	sshrl.u32 s8, $0x3  }
0xeb: {  	s1 =	sadd.s32 $0x780, s1;
	s22 =	spop (v2sf);
	s8 =	sadd.s32 s2, s8;
	[tilespmem:v0+s31+$0x750 ss:$0x1] =	vst.idx.msk $0xffff, v1  }
0xec: {  	[tilespmem:s1], [sflag:$0x1] =	stream.linear.gather [hbm4b:s8+s4], $0x40, $0x38;
	[tilespmem:$0x14600] =	vst v63  }
0xed: {  	v1 =	vld [tilespmem:s22+$0x0];
	_ =	sdelay $0x4  }
0xee: {  	s23 =	spop (v2sf);
	[tilespmem:v0+s31+$0x7C0 ss:$0x1] =	vst.idx.msk $0xffff, v1  }
0xef: {  	s24 =	sadd.s32 $0x1, s24;
	s0 =	sshll.u32 s0, $0xC;
	s1 =	simm.s32 $0x2000;
	v1 =	vld [tilespmem:s23+$0x0]  }
.LBB2_3:
0xf0: {  	_ =	sdelay $0x2  }
0xf1: {  	s26 =	sadd.s32 $0x10, s26;
	s28 =	sadd.s32 $0x10, s28;
	s29 =	sadd.s32 $0x10, s29  }
0xf2: {  	p2 =	sne.s32 s1, $0x1E000;
	s8 =	smov.u32 s1;
	s1 =	sadd.s32 $0x2000, s1;
	[tilespmem:v0+s31+$0x7D0 ss:$0x1] =	vst.idx.msk $0xffff, v1  }
0xf3: {  	v3 =	vld [tilespmem:s26+$0x0];
	_ =	sdelay $0x3  }
0xf4: {  	v1 =	vld [tilespmem:s28+$0x0]  }
0xf5: {  	(v2sf) =	vpush v3, $0x0;
	_ =	sdelay $0x1  }
0xf6: {  	(v2sf) =	vpush v3, $0x1;
	_ =	sdelay $0x1  }
0xf7: {  	v1 =	vshll.u32 v1, $0x6  }
0xf8: {  	v4 =	vld [tilespmem:s29+$0x0];
	v1 =	vshra.s32 v1, $0x2  }
0xf9: {  	v2 =	vadd.s32 $0x600, v1  }
0xfa: {  	(v2sf) =	vpush v2, $0x0;
	_ =	sdelay $0x1  }
0xfb: {  	(v2sf) =	vpush v3, $0x2  }
0xfc: {  	v1 =	vshll.u32 v4, $0x6;
	(v2sf) =	vpush v3, $0x3  }
0xfd: {  	v1 =	vshra.s32 v1, $0x2  }
0xfe: {  	v1 =	vadd.s32 $0x2600, v1  }
0xff: {  	(v2sf) =	vpush v1, $0x0  }
0x100: {  	(v2sf) =	vpush v3, $0x4  }
0x101: {  	s9 =	spop (v2sf)  }
0x102: {  	s11 =	sshrl.u32 s9, $0x1;
	s12 =	sand.u32 $0xFFF, s9;
	s9 =	sshrl.u32 s9, $0x6  }
0x103: {  	s31 =	sshra.s32 s8, $0x2;
	s11 =	sand.u32 $0x1FFF000, s11;
	s8 =	spop (v2sf)  }
0x104: {  	s15 =	sadd.s32 s31, s30;
	s9 =	sand.u32 $0x40, s9;
	s11 =	sor.u32 s12, s11  }
0x105: {  	s12 =	sshrl.u32 s8, $0x1;
	s13 =	sand.u32 $0xFFF, s8;
	s11 =	sshll.u32 s11, $0x7;
	(v2sf) =	vpush v3, $0x5  }
0x106: {  	s8 =	sshrl.u32 s8, $0x6;
	s9 =	sor.u32 s9, s11;
	s11 =	sand.u32 $0x1FFF000, s12;
	(v2sf) =	vpush v2, $0x1  }
0x107: {  	s8 =	sand.u32 $0x40, s8;
	s9 =	sshrl.u32 s9, $0x3;
	s11 =	sor.u32 s13, s11  }
0x108: {  	s9 =	sadd.s32 s2, s9;
	s11 =	sshll.u32 s11, $0x7;
	s12 =	spop (v2sf)  }
0x109: {  	[tilespmem:s15], [sflag:$0x1] =	stream.linear.gather [hbm4b:s9+s4], $0x40, $0x38;
	[tilespmem:$0x14600] =	vst v63  }
0x10a: {  	s8 =	sor.u32 s8, s11;
	v4 =	vld [tilespmem:s12+$0x0];
	s9 =	spop (v2sf);
	(v2sf) =	vpush v3, $0x6  }
0x10b: {  	s12 =	sshrl.u32 s8, $0x3;
	s8 =	sshrl.u32 s9, $0x1;
	s13 =	spop (v2sf)  }
0x10c: {  	s11 =	sand.u32 $0xFFF, s9;
	s8 =	sand.u32 $0x1FFF000, s8;
	s14 =	sshrl.u32 s13, $0x1;
	(v2sf) =	vpush v1, $0x1  }
0x10d: {  	s9 =	sshrl.u32 s9, $0x6;
	s8 =	sor.u32 s11, s8;
	s14 =	sand.u32 $0x1FFF000, s14;
	(v2sf) =	vpush v3, $0x7  }
0x10e: {  	s9 =	sand.u32 $0x40, s9;
	s8 =	sshll.u32 s8, $0x7;
	s11 =	spop (v2sf)  }
0x10f: {  	[tilespmem:v0+s31+$0x40 ss:$0x1] =	vst.idx.msk $0xffff, v4;
	s8 =	sor.u32 s9, s8;
	s9 =	sand.u32 $0xFFF, s13;
	s16 =	spop (v2sf)  }
0x110: {  	v4 =	vld [tilespmem:s11+$0x0];
	s11 =	sshrl.u32 s8, $0x3;
	s8 =	sor.u32 s9, s14;
	s9 =	sshrl.u32 s13, $0x6;
	(v2sf) =	vpush v3, $0x8  }
0x111: {  	s13 =	sshrl.u32 s16, $0x1;
	s8 =	sshll.u32 s8, $0x7;
	s9 =	sand.u32 $0x40, s9  }
0x112: {  	s8 =	sor.u32 s9, s8;
	s9 =	sand.u32 $0x1FFF000, s13;
	s13 =	sand.u32 $0xFFF, s16  }
0x113: {  	s8 =	sshrl.u32 s8, $0x3;
	s9 =	sor.u32 s13, s9;
	s13 =	sshrl.u32 s16, $0x6;
	(v2sf) =	vpush v2, $0x2  }
0x114: {  	s9 =	sshll.u32 s9, $0x7;
	s13 =	sand.u32 $0x40, s13;
	s14 =	spop (v2sf)  }
0x115: {  	s12 =	sadd.s32 s2, s12;
	s16 =	sadd.s32 $0x80, s15;
	[tilespmem:v0+s31+$0x50 ss:$0x1] =	vst.idx.msk $0xffff, v4;
	s17 =	spop (v2sf)  }
0x116: {  	[tilespmem:s16], [sflag:$0x1] =	stream.linear.gather [hbm4b:s12+s4], $0x40, $0x38;
	(v2sf) =	vpush v3, $0x9;
	[tilespmem:$0x14600] =	vst v63  }
0x117: {  	s9 =	sor.u32 s13, s9;
	s13 =	sshrl.u32 s14, $0x6;
	s12 =	sshrl.u32 s14, $0x1;
	v4 =	vld [tilespmem:s17+$0x0]  }
0x118: {  	s9 =	sshrl.u32 s9, $0x3;
	s14 =	sand.u32 $0xFFF, s14;
	s12 =	sand.u32 $0x1FFF000, s12  }
0x119: {  	s12 =	sor.u32 s14, s12;
	(v2sf) =	vpush v1, $0x2;
	s14 =	spop (v2sf)  }
0x11a: {  	s13 =	sand.u32 $0x40, s13;
	s12 =	sshll.u32 s12, $0x7;
	s16 =	sshrl.u32 s14, $0x1  }
0x11b: {  	s12 =	sor.u32 s13, s12;
	s13 =	sand.u32 $0x1FFF000, s16;
	s16 =	spop (v2sf);
	(v2sf) =	vpush v3, $0xA  }
0x11c: {  	s20 =	sshrl.u32 s12, $0x3;
	s12 =	sand.u32 $0xFFF, s14;
	[tilespmem:v0+s31+$0xC0 ss:$0x1] =	vst.idx.msk $0xffff, v4;
	s17 =	spop (v2sf)  }
0x11d: {  	s12 =	sor.u32 s12, s13;
	s13 =	sshrl.u32 s14, $0x6;
	v4 =	vld [tilespmem:s16+$0x0];
	s14 =	sshrl.u32 s17, $0x1  }
0x11e: {  	s12 =	sshll.u32 s12, $0x7;
	s13 =	sand.u32 $0x40, s13;
	s14 =	sand.u32 $0x1FFF000, s14;
	(v2sf) =	vpush v3, $0xB  }
0x11f: {  	s12 =	sor.u32 s13, s12;
	s13 =	sand.u32 $0xFFF, s17;
	s18 =	spop (v2sf)  }
0x120: {  	s16 =	sshrl.u32 s12, $0x3;
	s12 =	sor.u32 s13, s14;
	s13 =	sshrl.u32 s17, $0x6;
	(v2sf) =	vpush v2, $0x3  }
0x121: {  	s11 =	sadd.s32 s2, s11;
	s12 =	sshll.u32 s12, $0x7;
	s13 =	sand.u32 $0x40, s13  }
0x122: {  	s14 =	sadd.s32 $0x100, s15;
	s12 =	sor.u32 s13, s12;
	[tilespmem:v0+s31+$0xD0 ss:$0x1] =	vst.idx.msk $0xffff, v4;
	s13 =	spop (v2sf)  }
0x123: {  	[tilespmem:s14], [sflag:$0x1] =	stream.linear.gather [hbm4b:s11+s4], $0x40, $0x38;
	[tilespmem:$0x14600] =	vst v63  }
0x124: {  	s11 =	sshrl.u32 s18, $0x1;
	v4 =	vld [tilespmem:s13+$0x0];
	s13 =	sshrl.u32 s12, $0x3;
	s12 =	sshrl.u32 s18, $0x6;
	(v2sf) =	vpush v3, $0xC  }
0x125: {  	s14 =	sand.u32 $0xFFF, s18;
	s11 =	sand.u32 $0x1FFF000, s11;
	s17 =	spop (v2sf)  }
0x126: {  	s11 =	sor.u32 s14, s11;
	s14 =	sshrl.u32 s17, $0x1;
	s18 =	sand.u32 $0xFFF, s17  }
0x127: {  	s12 =	sand.u32 $0x40, s12;
	s11 =	sshll.u32 s11, $0x7;
	s14 =	sand.u32 $0x1FFF000, s14;
	(v2sf) =	vpush v1, $0x3  }
0x128: {  	s11 =	sor.u32 s12, s11;
	s12 =	sor.u32 s18, s14;
	s18 =	spop (v2sf);
	(v2sf) =	vpush v3, $0xD  }
0x129: {  	s14 =	sshrl.u32 s11, $0x3;
	[tilespmem:v0+s31+$0x140 ss:$0x1] =	vst.idx.msk $0xffff, v4;
	s11 =	sshll.u32 s12, $0x7;
	s12 =	sshrl.u32 s17, $0x6;
	(v2sf) =	vpush v3, $0xE  }
0x12a: {  	v4 =	vld [tilespmem:s18+$0x0];
	s12 =	sand.u32 $0x40, s12;
	s17 =	spop (v2sf)  }
0x12b: {  	s11 =	sor.u32 s12, s11;
	s12 =	sshrl.u32 s17, $0x1;
	s18 =	sshrl.u32 s17, $0x6  }
0x12c: {  	s17 =	sand.u32 $0xFFF, s17;
	s11 =	sshrl.u32 s11, $0x3;
	s12 =	sand.u32 $0x1FFF000, s12  }
0x12d: {  	s12 =	sor.u32 s17, s12;
	(v2sf) =	vpush v2, $0x4;
	s17 =	spop (v2sf)  }
0x12e: {  	s18 =	sand.u32 $0x40, s18;
	s12 =	sshll.u32 s12, $0x7;
	s19 =	sshrl.u32 s17, $0x1  }
0x12f: {  	s23 =	sadd.s32 $0x180, s15;
	s8 =	sadd.s32 s2, s8;
	[tilespmem:v0+s31+$0x150 ss:$0x1] =	vst.idx.msk $0xffff, v4;
	s3 =	spop (v2sf);
	(v2sf) =	vpush v3, $0xF  }
0x130: {  	[tilespmem:s23], [sflag:$0x1] =	stream.linear.gather [hbm4b:s8+s4], $0x40, $0x38;
	[tilespmem:$0x14600] =	vst v63  }
0x131: {  	s8 =	sand.u32 $0x1FFF000, s19;
	v3 =	vld [tilespmem:s3+$0x0];
	s3 =	sor.u32 s18, s12;
	s18 =	sand.u32 $0xFFF, s17  }
0x132: {  	s12 =	sshrl.u32 s3, $0x3;
	s3 =	sor.u32 s18, s8;
	s8 =	sshrl.u32 s17, $0x6  }
0x133: {  	s3 =	sshll.u32 s3, $0x7;
	s8 =	sand.u32 $0x40, s8;
	s17 =	spop (v2sf)  }
0x134: {  	s3 =	sor.u32 s8, s3;
	s18 =	sshrl.u32 s17, $0x1;
	s19 =	sshrl.u32 s17, $0x6;
	(v2sf) =	vpush v1, $0x4  }
0x135: {  	s17 =	sand.u32 $0xFFF, s17;
	s8 =	sshrl.u32 s3, $0x3;
	s3 =	sand.u32 $0x1FFF000, s18  }
0x136: {  	s18 =	sadd.s32 $0x200, s15;
	[tilespmem:v0+s31+$0x1C0 ss:$0x1] =	vst.idx.msk $0xffff, v3;
	s3 =	sor.u32 s17, s3;
	s17 =	spop (v2sf)  }
0x137: {  	v3 =	vld [tilespmem:s17+$0x0];
	s3 =	sshll.u32 s3, $0x7;
	s17 =	sand.u32 $0x40, s19;
	s23 =	spop (v2sf)  }
0x138: {  	s3 =	sor.u32 s17, s3;
	s17 =	sshrl.u32 s23, $0x1;
	s22 =	spop (v2sf)  }
0x139: {  	s19 =	sshrl.u32 s3, $0x3;
	s3 =	sand.u32 $0x1FFF000, s17;
	s17 =	sshrl.u32 s22, $0x1  }
0x13a: {  	s5 =	sand.u32 $0xFFF, s23;
	s23 =	sshrl.u32 s23, $0x6;
	s6 =	sshrl.u32 s22, $0x6;
	(v2sf) =	vpush v2, $0x5  }
0x13b: {  	s23 =	sand.u32 $0x40, s23;
	s22 =	sand.u32 $0xFFF, s22;
	s17 =	sand.u32 $0x1FFF000, s17  }
0x13c: {  	s9 =	sadd.s32 s2, s9;
	s6 =	sand.u32 $0x40, s6;
	[tilespmem:v0+s31+$0x1D0 ss:$0x1] =	vst.idx.msk $0xffff, v3;
	s7 =	spop (v2sf)  }
0x13d: {  	[tilespmem:s18], [sflag:$0x1] =	stream.linear.gather [hbm4b:s9+s4], $0x40, $0x38;
	[tilespmem:$0x14600] =	vst v63  }
0x13e: {  	s3 =	sor.u32 s5, s3;
	s5 =	sor.u32 s22, s17;
	v3 =	vld [tilespmem:s7+$0x0];
	s7 =	spop (v2sf)  }
0x13f: {  	s3 =	sshll.u32 s3, $0x7;
	s5 =	sshll.u32 s5, $0x7;
	s17 =	sand.u32 $0xFFF, s7  }
0x140: {  	s3 =	sor.u32 s23, s3;
	s5 =	sor.u32 s6, s5;
	s6 =	sshrl.u32 s7, $0x1  }
0x141: {  	s9 =	sshrl.u32 s3, $0x3;
	s18 =	sshrl.u32 s5, $0x3;
	s3 =	sand.u32 $0x1FFF000, s6;
	(v2sf) =	vpush v1, $0x5  }
0x142: {  	s5 =	sshrl.u32 s7, $0x6;
	s3 =	sor.u32 s17, s3  }
0x143: {  	s5 =	sand.u32 $0x40, s5;
	s3 =	sshll.u32 s3, $0x7;
	[tilespmem:v0+s31+$0x240 ss:$0x1] =	vst.idx.msk $0xffff, v3;
	s6 =	spop (v2sf)  }
0x144: {  	s3 =	sor.u32 s5, s3;
	v3 =	vld [tilespmem:s6+$0x0]  }
0x145: {  	s17 =	sshrl.u32 s3, $0x3;
	_ =	sdelay $0x1  }
0x146: {  	(v2sf) =	vpush v2, $0x6;
	_ =	sdelay $0x1  }
0x147: {  	s5 =	sadd.s32 s2, s20;
	s3 =	sadd.s32 $0x280, s15;
	[tilespmem:v0+s31+$0x250 ss:$0x1] =	vst.idx.msk $0xffff, v3;
	s6 =	spop (v2sf)  }
0x148: {  	[tilespmem:s3], [sflag:$0x1] =	stream.linear.gather [hbm4b:s5+s4], $0x40, $0x38;
	[tilespmem:$0x14600] =	vst v63  }
0x149: {  	v3 =	vld [tilespmem:s6+$0x0];
	_ =	sdelay $0x2  }
0x14a: {  	(v2sf) =	vpush v1, $0x6;
	_ =	sdelay $0x1  }
0x14b: {  	[tilespmem:v0+s31+$0x2C0 ss:$0x1] =	vst.idx.msk $0xffff, v3;
	s3 =	spop (v2sf)  }
0x14c: {  	v3 =	vld [tilespmem:s3+$0x0];
	_ =	sdelay $0x2  }
0x14d: {  	(v2sf) =	vpush v2, $0x7;
	_ =	sdelay $0x1  }
0x14e: {  	s5 =	sadd.s32 s2, s16;
	s3 =	sadd.s32 $0x300, s15;
	[tilespmem:v0+s31+$0x2D0 ss:$0x1] =	vst.idx.msk $0xffff, v3;
	s6 =	spop (v2sf)  }
0x14f: {  	[tilespmem:s3], [sflag:$0x1] =	stream.linear.gather [hbm4b:s5+s4], $0x40, $0x38;
	[tilespmem:$0x14600] =	vst v63  }
0x150: {  	v3 =	vld [tilespmem:s6+$0x0];
	_ =	sdelay $0x2  }
0x151: {  	(v2sf) =	vpush v1, $0x7;
	_ =	sdelay $0x1  }
0x152: {  	[tilespmem:v0+s31+$0x340 ss:$0x1] =	vst.idx.msk $0xffff, v3;
	s3 =	spop (v2sf)  }
0x153: {  	v3 =	vld [tilespmem:s3+$0x0];
	_ =	sdelay $0x2  }
0x154: {  	(v2sf) =	vpush v2, $0x8;
	_ =	sdelay $0x1  }
0x155: {  	s5 =	sadd.s32 s2, s13;
	s3 =	sadd.s32 $0x380, s15;
	[tilespmem:v0+s31+$0x350 ss:$0x1] =	vst.idx.msk $0xffff, v3;
	s6 =	spop (v2sf)  }
0x156: {  	[tilespmem:s3], [sflag:$0x1] =	stream.linear.gather [hbm4b:s5+s4], $0x40, $0x38;
	[tilespmem:$0x14600] =	vst v63  }
0x157: {  	v3 =	vld [tilespmem:s6+$0x0];
	_ =	sdelay $0x2  }
0x158: {  	(v2sf) =	vpush v1, $0x8;
	_ =	sdelay $0x1  }
0x159: {  	[tilespmem:v0+s31+$0x3C0 ss:$0x1] =	vst.idx.msk $0xffff, v3;
	s3 =	spop (v2sf)  }
0x15a: {  	v3 =	vld [tilespmem:s3+$0x0];
	_ =	sdelay $0x2  }
0x15b: {  	(v2sf) =	vpush v2, $0x9;
	_ =	sdelay $0x1  }
0x15c: {  	s5 =	sadd.s32 s2, s14;
	s3 =	sadd.s32 $0x400, s15;
	[tilespmem:v0+s31+$0x3D0 ss:$0x1] =	vst.idx.msk $0xffff, v3;
	s6 =	spop (v2sf)  }
0x15d: {  	[tilespmem:s3], [sflag:$0x1] =	stream.linear.gather [hbm4b:s5+s4], $0x40, $0x38;
	[tilespmem:$0x14600] =	vst v63  }
0x15e: {  	v3 =	vld [tilespmem:s6+$0x0];
	_ =	sdelay $0x2  }
0x15f: {  	(v2sf) =	vpush v1, $0x9;
	_ =	sdelay $0x1  }
0x160: {  	[tilespmem:v0+s31+$0x440 ss:$0x1] =	vst.idx.msk $0xffff, v3;
	s3 =	spop (v2sf)  }
0x161: {  	v3 =	vld [tilespmem:s3+$0x0];
	_ =	sdelay $0x2  }
0x162: {  	(v2sf) =	vpush v2, $0xA;
	_ =	sdelay $0x1  }
0x163: {  	s5 =	sadd.s32 s2, s11;
	s3 =	sadd.s32 $0x480, s15;
	[tilespmem:v0+s31+$0x450 ss:$0x1] =	vst.idx.msk $0xffff, v3;
	s6 =	spop (v2sf)  }
0x164: {  	[tilespmem:s3], [sflag:$0x1] =	stream.linear.gather [hbm4b:s5+s4], $0x40, $0x38;
	[tilespmem:$0x14600] =	vst v63  }
0x165: {  	v3 =	vld [tilespmem:s6+$0x0];
	_ =	sdelay $0x2  }
0x166: {  	(v2sf) =	vpush v1, $0xA;
	_ =	sdelay $0x1  }
0x167: {  	[tilespmem:v0+s31+$0x4C0 ss:$0x1] =	vst.idx.msk $0xffff, v3;
	s3 =	spop (v2sf)  }
0x168: {  	v3 =	vld [tilespmem:s3+$0x0];
	_ =	sdelay $0x2  }
0x169: {  	(v2sf) =	vpush v2, $0xB;
	_ =	sdelay $0x1  }
0x16a: {  	s5 =	sadd.s32 s2, s12;
	s3 =	sadd.s32 $0x500, s15;
	[tilespmem:v0+s31+$0x4D0 ss:$0x1] =	vst.idx.msk $0xffff, v3;
	s6 =	spop (v2sf)  }
0x16b: {  	[tilespmem:s3], [sflag:$0x1] =	stream.linear.gather [hbm4b:s5+s4], $0x40, $0x38;
	[tilespmem:$0x14600] =	vst v63  }
0x16c: {  	v3 =	vld [tilespmem:s6+$0x0];
	_ =	sdelay $0x2  }
0x16d: {  	(v2sf) =	vpush v1, $0xB;
	_ =	sdelay $0x1  }
0x16e: {  	[tilespmem:v0+s31+$0x540 ss:$0x1] =	vst.idx.msk $0xffff, v3;
	s3 =	spop (v2sf)  }
0x16f: {  	v3 =	vld [tilespmem:s3+$0x0];
	_ =	sdelay $0x2  }
0x170: {  	(v2sf) =	vpush v2, $0xC;
	_ =	sdelay $0x1  }
0x171: {  	s5 =	sadd.s32 s2, s8;
	s3 =	sadd.s32 $0x580, s15;
	[tilespmem:v0+s31+$0x550 ss:$0x1] =	vst.idx.msk $0xffff, v3;
	s6 =	spop (v2sf)  }
0x172: {  	[tilespmem:s3], [sflag:$0x1] =	stream.linear.gather [hbm4b:s5+s4], $0x40, $0x38;
	[tilespmem:$0x14600] =	vst v63  }
0x173: {  	v3 =	vld [tilespmem:s6+$0x0];
	_ =	sdelay $0x2  }
0x174: {  	(v2sf) =	vpush v1, $0xC;
	_ =	sdelay $0x1  }
0x175: {  	[tilespmem:v0+s31+$0x5C0 ss:$0x1] =	vst.idx.msk $0xffff, v3;
	s3 =	spop (v2sf)  }
0x176: {  	v3 =	vld [tilespmem:s3+$0x0];
	_ =	sdelay $0x2  }
0x177: {  	(v2sf) =	vpush v2, $0xD;
	_ =	sdelay $0x1  }
0x178: {  	s5 =	sadd.s32 s2, s19;
	s3 =	sadd.s32 $0x600, s15;
	[tilespmem:v0+s31+$0x5D0 ss:$0x1] =	vst.idx.msk $0xffff, v3;
	s6 =	spop (v2sf)  }
0x179: {  	[tilespmem:s3], [sflag:$0x1] =	stream.linear.gather [hbm4b:s5+s4], $0x40, $0x38;
	[tilespmem:$0x14600] =	vst v63  }
0x17a: {  	v3 =	vld [tilespmem:s6+$0x0];
	_ =	sdelay $0x2  }
0x17b: {  	(v2sf) =	vpush v1, $0xD;
	_ =	sdelay $0x1  }
0x17c: {  	[tilespmem:v0+s31+$0x640 ss:$0x1] =	vst.idx.msk $0xffff, v3;
	s3 =	spop (v2sf)  }
0x17d: {  	v3 =	vld [tilespmem:s3+$0x0];
	_ =	sdelay $0x2  }
0x17e: {  	(v2sf) =	vpush v2, $0xE;
	_ =	sdelay $0x1  }
0x17f: {  	s5 =	sadd.s32 s2, s9;
	s3 =	sadd.s32 $0x680, s15;
	[tilespmem:v0+s31+$0x650 ss:$0x1] =	vst.idx.msk $0xffff, v3;
	s6 =	spop (v2sf)  }
0x180: {  	[tilespmem:s3], [sflag:$0x1] =	stream.linear.gather [hbm4b:s5+s4], $0x40, $0x38;
	[tilespmem:$0x14600] =	vst v63  }
0x181: {  	v3 =	vld [tilespmem:s6+$0x0];
	_ =	sdelay $0x2  }
0x182: {  	(v2sf) =	vpush v1, $0xE;
	_ =	sdelay $0x1  }
0x183: {  	[tilespmem:v0+s31+$0x6C0 ss:$0x1] =	vst.idx.msk $0xffff, v3;
	s3 =	spop (v2sf)  }
0x184: {  	v3 =	vld [tilespmem:s3+$0x0];
	_ =	sdelay $0x2  }
0x185: {  	(v2sf) =	vpush v2, $0xF;
	_ =	sdelay $0x1  }
0x186: {  	s5 =	sadd.s32 s2, s18;
	s3 =	sadd.s32 $0x700, s15;
	[tilespmem:v0+s31+$0x6D0 ss:$0x1] =	vst.idx.msk $0xffff, v3;
	s6 =	spop (v2sf)  }
0x187: {  	[tilespmem:s3], [sflag:$0x1] =	stream.linear.gather [hbm4b:s5+s4], $0x40, $0x38;
	[tilespmem:$0x14600] =	vst v63  }
0x188: {  	v2 =	vld [tilespmem:s6+$0x0];
	_ =	sdelay $0x2  }
0x189: {  	(v2sf) =	vpush v1, $0xF;
	_ =	sdelay $0x1  }
0x18a: {  	[tilespmem:v0+s31+$0x740 ss:$0x1] =	vst.idx.msk $0xffff, v2;
	s3 =	spop (v2sf)  }
0x18b: {  	v1 =	vld [tilespmem:s3+$0x0];
	_ =	sdelay $0x4  }
0x18c: {  	s5 =	sadd.s32 s2, s17;
	s3 =	sadd.s32 $0x780, s15;
	[tilespmem:v0+s31+$0x750 ss:$0x1] =	vst.idx.msk $0xffff, v1;
	s6 =	spop (v2sf)  }
0x18d: {  	[tilespmem:s3], [sflag:$0x1] =	stream.linear.gather [hbm4b:s5+s4], $0x40, $0x38;
	[tilespmem:$0x14600] =	vst v63  }
0x18e: {  	v1 =	vld [tilespmem:s6+$0x0];
	_ =	sdelay $0x1  }
.Ltmp0:
0x18f: {  	(pc) =	sbr.rel @p2 .LBB2_3-.Ltmp0, $3  }
0x190: {  	_ =	sdelay $0x1  }
0x191: {  	[tilespmem:v0+s31+$0x7C0 ss:$0x1] =	vst.idx.msk $0xffff, v1;
	s3 =	spop (v2sf)  }
0x192: {  	v1 =	vld [tilespmem:s3+$0x0]  }
0x193: {  	_ =	sdelay $0x3  }
0x194: {  	[tilespmem:v0+s31+$0x7D0 ss:$0x1] =	vst.idx.msk $0xffff, v1  }
0x195: {  	_ =	swait.ge [sflag:s21], $0x4000  }
0x196: {  	[sflag:s21] =	ssyncset.done $0x0  }
0x197: {  	s1 =	simm.s32 @!p1 $0x2;
	[sflag:s21] =	ssyncadd.s32 $0xFFFFC000  }
0x198: {  	_ =	swait.ge @!p1 [sflag:s1], $0x100  }
0x199: {  	[sflag:s1] =	ssyncset.done @!p1 $0x0  }
0x19a: {  	[sflag:s1] =	ssyncadd.s32 @!p1 $0xFFFFFF00  }
0x19b: {  	_ =	swait.ge @!p1 [sflag:s1], $0x100  }
0x19c: {  	[sflag:s1] =	ssyncset.done @!p1 $0x0  }
0x19d: {  	[sflag:s1] =	ssyncadd.s32 @!p1 $0xFFFFFF00  }
0x19e: {  	_ =	swait.ge @!p1 [sflag:s1], $0x100  }
0x19f: {  	[sflag:s1] =	ssyncset.done @!p1 $0x0  }
0x1a0: {  	[sflag:s1] =	ssyncadd.s32 @!p1 $0xFFFFFF00;
	p1 =	sne.s32 s24, $0x64  }
.Ltmp1:
0x1a1: {  	_ = 	snop;
	(pc) =	sbr.rel @p1 .LBB2_2-.Ltmp1, $4  }
0x1a2: {  	_ = 	snop  }
0x1a3: {  	s3 =	sshll.u32 s25, $0xF;
	s1 =	rddreg [dreg:$0x2]  }
0x1a4: {  	p0 =	por !p0, !p0;
	s31 =	sor.u32 $0x4600, s3;
	s0 =	sadd.s32 s1, s0  }
0x1a5: {  	[hbm4b:s0+s4] =	stream.linear.scatter [tilespmem:s31], [sflag:$0x3], $0x8000, $0x38;
	[tilespmem:$0x14600] =	vst v63  }
0x1a6: {  	s1 =	simm.s32 $0x3  }
0x1a7: {  	_ =	swait.ge [sflag:s1], $0x8000  }
0x1a8: {  	[sflag:s1] =	ssyncset.done $0x0  }
0x1a9: {  	[sflag:s1] =	ssyncadd.s32 $0xFFFF8000  }
0x1aa: {  	_ =	swait.ge [sflag:s1], $0x8000  }
0x1ab: {  	s3 =	rddreg [dreg:$0xd]  }
0x1ac: {  	s0 =	rddreg [dreg:$0xc];
	s3 =	sadd.s32 $0x1, s3  }
0x1ad: {  	p0 =	sne.s32 s3, s0  }
.Ltmp2:
0x1ae: {  	_ = 	snop;
	(pc) =	sbr.rel @p0 .LBB2_1-.Ltmp2, $3  }
0x1af: {  	_ =	sdelay $0x1  }
0x1b0: {  	[sflag:s1] =	ssyncset.done $0x0  }
0x1b1: {  	[sflag:s1] =	ssyncadd.s32 $0xFFFF8000  }
0x1b2: {  	_ =	sfence.sel $0x180000  }
0x1b3: {  	[bflag:$0x0] =	sbarrier.arrive $0xFFFF  }
0x1b4: {  	_ =	strace $0x90000047  }
0x1b5: {  	s0 =	stileid.u32;
	[bflag:$0x2] =	sbarrier.arrive $0xFFFF  }
0x1b6: {  	p0 =	sne.s32 s0, $0x0;
	s0 =	rddreg [dreg:$0x3]  }
0x1b7: {  	s0 =	sadd.s32 @!p0 $0x100000, s0  }
0x1b8: {  	[sflag:s0] =	ssyncadd.tile.s32 @!p0 $0x1;
	_ =	shalt  }
.Lfunc_end2:
_tile_overlayer_lowered:
.L_overlay_start_2:
0x1b9: {  	(tag) =	ssettag $0x2  }
0x1ba: {  	s0 =	rddreg [dreg:$0x0];
	s2 =	stileid.u32  }
0x1bb: {  	s1 =	rddreg [dreg:$0x1];
	p0 =	sne.s32 s2, $0x0  }
0x1bc: {  	s3 =	rddreg [dreg:$0x2];
	[bflag:$0x3] =	sbarrier.arrive $0xFFFF;
	s2 =	simm.s32 @!p0 $0x1C04  }
0x1bd: {  	[timem:s3], [sflag:s2] =	dma.local @!p0 [hbm:s0], s1  }
0x1be: {  	s0 =	simm.s32 @!p0 $0x4  }
0x1bf: {  	_ =	swait.ge @!p0 [sflag:s0], s1  }
0x1c0: {  	s1 =	ssub.s32 @!p0 $0x0, s1;
	[sflag:s0] =	ssyncset.done @!p0 $0x0  }
0x1c1: {  	[sflag:s0] =	ssyncadd.s32 @!p0 s1  }
0x1c2: {  	[bflag:$0x3] =	sbarrier.arrive $0xFFFF  }
0x1c3: {  	_ =	shalt  }

</sc_bundles>
